<compile_context>
chip_gen: v7x
topology: tpu7x:2x2x1
jax: 0.10.2.dev20260603
libtpu: 0.0.44.dev20260713+nightly
codegen_flags: <defaults>
</compile_context>

<pallas_src>
import functools

import jax
import jax.numpy as jnp
import numpy as np
from jax import lax
from jax.experimental import pallas as pl
from jax.experimental.pallas import tpu as pltpu
from jax.experimental.pallas import tpu_sc as plsc

_B = 32
_PACK = 4
_L = _B * _PACK
_D = _B - 1
_LD = _D * _PACK
_LOWER = -3.0
_MIN_BIN = 0.01
_MIN_DERIV = 0.01
_RED_RANGE = 6.0 - _B * _MIN_BIN
_BLOCK = 2048

_UPPER_CONST = float(
    np.float32(np.float32(_RED_RANGE) * np.float32(1.0)
               + np.float32(np.float32(_MIN_BIN) * np.float32(_B)))
    + np.float32(_LOWER))

_HI = lax.Precision.HIGHEST
_LO = lax.Precision.DEFAULT


def _seg_matrices():
    i = np.arange(_L)
    seg = i[:, None] // _B == i[None, :] // _B
    bd_lt = (seg & (i[:, None] % _B <= i[None, :] % _B)).astype(np.float32)
    bd_ones = seg.astype(np.float32)
    lts = np.concatenate([bd_lt, bd_ones], axis=1)
    e4 = (np.arange(_PACK)[:, None] == i[None, :] // _B).astype(np.float32)
    j = np.arange(_LD)
    m2 = (i[:, None] // _B == j[None, :] // _D).astype(np.float32)
    cn2 = np.concatenate([bd_ones, m2], axis=1)
    m31 = (j[:, None] // _D == i[None, :] // _B).astype(np.float32)
    c1 = (i[:, None] == _B * np.arange(_PACK)[None, :]).astype(np.float32)
    return (jnp.asarray(lts), jnp.asarray(bd_ones), jnp.asarray(e4),
            jnp.asarray(cn2), jnp.asarray(m31), jnp.asarray(c1))


def _mm(a, b, precision=_HI):
    return lax.dot_general(a, b, (((1,), (0,)), ((), ())),
                           preferred_element_type=jnp.float32,
                           precision=precision)


def _spline_body(x_ref, ubx_ref, uby_ref, ud_ref,
                 lts_ref, on_ref, e4_ref, cn2_ref, m31_ref, c1_ref,
                 vals_ref, acc_ref):
    i = pl.program_id(0)
    x4 = x_ref[:, :]
    ubx = ubx_ref[:, :]
    uby = uby_ref[:, :]
    ud = ud_ref[:, :]
    bd_ones = on_ref[:, :]
    rows = ubx.shape[0]

    il = lax.broadcasted_iota(jnp.int32, (rows, _L), 1)
    kf = jnp.bitwise_and(il, _B - 1).astype(jnp.float32)
    kterm = _MIN_BIN * (kf + 1.0) + _LOWER

    xb = _mm(x4, e4_ref[:, :])

    ex = jnp.exp(ubx)
    ey = jnp.exp(uby)
    cs2x = _mm(ex, lts_ref[:, :])
    cs2y = _mm(ey, lts_ref[:, :])
    totx = cs2x[:, _L:]
    toty = cs2y[:, _L:]
    posx = _RED_RANGE * (cs2x[:, :_L] / totx) + kterm
    cqy = _RED_RANGE * (cs2y[:, :_L] / toty) + kterm

    in_range = jnp.logical_and(xb > _LOWER, xb < _UPPER_CONST)
    xs = jnp.clip(xb, _LOWER, _UPPER_CONST)

    c = (posx < xs).astype(jnp.float32)
    cn2 = _mm(c, cn2_ref[:, :], _LO)
    cnt = cn2[:, :_L]
    cnt124 = cn2[:, _L:]

    oh_lo = (kf == cnt - 1.0).astype(jnp.float32)
    oh_hi = (kf == cnt).astype(jnp.float32)
    first = cnt == 0.0
    last = cnt == jnp.float32(_B - 1)

    lox = _mm(posx * oh_lo, bd_ones)
    ylo = _mm(cqy * oh_lo, bd_ones)
    lower_x = jnp.where(first, jnp.float32(_LOWER), lox)
    lower_y = jnp.where(first, jnp.float32(_LOWER), ylo)

    dex = _mm(ex * oh_hi, bd_ones, _LO)
    dey = _mm(ey * oh_hi, bd_ones, _LO)
    delta_x = _RED_RANGE * (dex / totx) + _MIN_BIN
    delta_y = jnp.where(last, jnp.float32(_UPPER_CONST) - lower_y,
                        _RED_RANGE * (dey / toty) + _MIN_BIN)

    il124 = lax.broadcasted_iota(jnp.int32, (rows, _LD), 1)
    j31 = (il124 - _D * (il124 // _D)).astype(jnp.float32)
    ohd_lo = (j31 == cnt124 - 1.0).astype(jnp.float32)
    ohd_hi = (j31 == cnt124).astype(jnp.float32)
    ulo = _mm(ud * ohd_lo, m31_ref[:, :], _LO)
    uhi = _mm(ud * ohd_hi, m31_ref[:, :], _LO)

    def softplus(v):
        return jnp.maximum(v, 0.0) + jnp.log(1.0 + jnp.exp(-jnp.abs(v)))

    lower_d = jnp.where(first, 1.0, softplus(ulo) + _MIN_DERIV)
    upper_d = jnp.where(last, 1.0, softplus(uhi) + _MIN_DERIV)

    r_dx = 1.0 / delta_x
    slope = delta_y * r_dx
    alpha = jnp.clip((xs - lower_x) * r_dx, 0.0, 1.0)
    a2 = alpha * alpha
    om = 1.0 - alpha
    beta = alpha * om
    gamma = om * om
    eps = upper_d + lower_d - 2.0 * slope
    r_den = 1.0 / (slope + eps * beta)
    val_s = lower_y + delta_y * (slope * a2 + lower_d * beta) * r_den
    der_s = slope * slope * (upper_d * a2 + 2.0 * slope * beta
                             + lower_d * gamma) * (r_den * r_den)

    val = jnp.where(in_range, val_s, xb)
    der = jnp.where(in_range, der_s, 1.0)

    vals_ref[:, :] = _mm(val * (kf == 0.0).astype(jnp.float32), c1_ref[:, :])

    part = jnp.sum(jnp.log(jnp.abs(der)), axis=0, keepdims=True)
    part = jnp.sum(part, axis=1, keepdims=True) * (1.0 / _B)

    @pl.when(i == 0)
    def _init():
        acc_ref[:, :] = jnp.zeros((1, 1), jnp.float32)

    acc_ref[:, :] += part


_NSC = 81920
_NW = 32
_SCL = 16
_ROWS_W = _NSC // _NW
_CHUNKS_W = _ROWS_W // _SCL

_LN2 = float(np.log(2.0))
_SQRT2 = float(np.sqrt(2.0))


def _sc_log(y):
    bits = plsc.bitcast(y, jnp.int32)
    e = jnp.right_shift(bits, 23) - 127
    m = plsc.bitcast(jnp.bitwise_or(jnp.bitwise_and(bits, 0x007FFFFF),
                                    0x3F800000), jnp.float32)
    big = m > _SQRT2
    m = jnp.where(big, m * 0.5, m)
    ef = e.astype(jnp.float32) + jnp.where(big, 1.0, 0.0)
    t = (m - 1.0) / (m + 1.0)
    t2 = t * t
    p = 1.0 + t2 * (1.0 / 3.0 + t2 * (1.0 / 5.0 + t2 * (1.0 / 7.0
                                                        + t2 / 9.0)))
    return 2.0 * t * p + _LN2 * ef


def _sc_softplus(v):
    return jnp.maximum(v, 0.0) + _sc_log(1.0 + jnp.exp(-jnp.abs(v)))


def _sc_spline(x_hbm, ubx_hbm, uby_hbm, ud_hbm, vals_hbm, part_hbm,
               xv, ubv, ubyv, udv, valv, partv):
    wid = lax.axis_index("s") * 2 + lax.axis_index("c")
    iota = lax.broadcasted_iota(jnp.int32, (_SCL,), 0)
    row_off32 = iota * _B
    row_off31 = iota * _D
    zeros = jnp.zeros((_SCL,), jnp.float32)

    def chunk_body(cki, acc):
        row0 = wid * _ROWS_W + cki * _SCL
        pltpu.sync_copy(x_hbm.at[pl.ds(row0, _SCL)], xv)
        pltpu.sync_copy(ubx_hbm.at[pl.ds(row0, _SCL)], ubv)
        pltpu.sync_copy(uby_hbm.at[pl.ds(row0, _SCL)], ubyv)
        pltpu.sync_copy(ud_hbm.at[pl.ds(row0, _SCL)], udv)

        xvec = xv[...]

        def tot_body(k, carry):
            tx, ty = carry
            ksp = iota * 0 + k
            exk = jnp.exp(plsc.load_gather(ubv, [iota, ksp]))
            eyk = jnp.exp(plsc.load_gather(ubyv, [iota, ksp]))
            return tx + exk, ty + eyk

        totx, toty = lax.fori_loop(0, _B, tot_body, (zeros, zeros))
        rtx = _RED_RANGE / totx
        rty = _RED_RANGE / toty

        xs = jnp.clip(xvec, _LOWER, _UPPER_CONST)
        in_range = jnp.logical_and(xvec > _LOWER, xvec < _UPPER_CONST)

        def scan_body(k, carry):
            (cumx, cumy, cnt, low_x, low_y, dex, dey, found) = carry
            ksp = iota * 0 + k
            exk = jnp.exp(plsc.load_gather(ubv, [iota, ksp]))
            eyk = jnp.exp(plsc.load_gather(ubyv, [iota, ksp]))
            cumx = cumx + exk
            cumy = cumy + eyk
            kshift = _MIN_BIN * (k + 1).astype(jnp.float32) + _LOWER
            pos_k = cumx * rtx + kshift
            cq_k = cumy * rty + kshift
            cmask = pos_k < xs
            cnt = cnt + jnp.where(cmask, 1.0, 0.0)
            low_x = jnp.where(cmask, pos_k, low_x)
            low_y = jnp.where(cmask, cq_k, low_y)
            newly = jnp.logical_and(jnp.logical_not(cmask), found == 0.0)
            dex = jnp.where(newly, exk * rtx + _MIN_BIN, dex)
            dey = jnp.where(newly, eyk * rty + _MIN_BIN, dey)
            found = jnp.where(newly, 1.0, found)
            return (cumx, cumy, cnt, low_x, low_y, dex, dey, found)

        init = (zeros, zeros, zeros, zeros + _LOWER, zeros + _LOWER,
                zeros + 1.0, zeros + 1.0, zeros)
        (_, _, cnt, lower_x, lower_y, delta_x, dey, _) = lax.fori_loop(
            0, _B, scan_body, init)

        cnti = cnt.astype(jnp.int32)
        first = cnt == 0.0
        last = cnt == jnp.float32(_B - 1)
        delta_y = jnp.where(last, _UPPER_CONST - lower_y, dey)

        idx_lo = jnp.maximum(cnti - 1, 0)
        idx_hi = jnp.minimum(cnti, _D - 1)
        ulo = plsc.load_gather(udv, [iota, idx_lo])
        uhi = plsc.load_gather(udv, [iota, idx_hi])
        lower_d = jnp.where(first, 1.0, _sc_softplus(ulo) + _MIN_DERIV)
        upper_d = jnp.where(last, 1.0, _sc_softplus(uhi) + _MIN_DERIV)

        r_dx = 1.0 / delta_x
        slope = delta_y * r_dx
        alpha = jnp.clip((xs - lower_x) * r_dx, 0.0, 1.0)
        a2 = alpha * alpha
        om = 1.0 - alpha
        beta = alpha * om
        gamma = om * om
        eps = upper_d + lower_d - 2.0 * slope
        r_den = 1.0 / (slope + eps * beta)
        val_s = lower_y + delta_y * (slope * a2 + lower_d * beta) * r_den
        der_s = slope * slope * (upper_d * a2 + 2.0 * slope * beta
                                 + lower_d * gamma) * (r_den * r_den)
        val = jnp.where(in_range, val_s, xvec)
        der = jnp.where(in_range, der_s, 1.0)

        valv[...] = val
        pltpu.sync_copy(valv, vals_hbm.at[pl.ds(row0, _SCL)])
        return acc + _sc_log(jnp.abs(der))

    acc = lax.fori_loop(0, _CHUNKS_W, chunk_body, zeros)
    partv[...] = acc
    pltpu.sync_copy(partv, part_hbm.at[wid])


def _sc_call(x_sc, ubx_flat, uby_flat, ud_flat):
    mesh = plsc.VectorSubcoreMesh(core_axis_name="c", subcore_axis_name="s")
    f = functools.partial(
        pl.kernel, mesh=mesh,
        compiler_params=pltpu.CompilerParams(needs_layout_passes=False),
        out_type=[jax.ShapeDtypeStruct((_NSC,), jnp.float32),
                  jax.ShapeDtypeStruct((_NW, _SCL), jnp.float32)],
        scratch_types=[
            pltpu.VMEM((_SCL,), jnp.float32),
            pltpu.VMEM((_SCL, _B), jnp.float32),
            pltpu.VMEM((_SCL, _B), jnp.float32),
            pltpu.VMEM((_SCL, _D), jnp.float32),
            pltpu.VMEM((_SCL,), jnp.float32),
            pltpu.VMEM((_SCL,), jnp.float32),
        ],
    )(_sc_spline)
    return f(x_sc, ubx_flat, uby_flat, ud_flat)


@jax.jit
def kernel(x, unconst_bin_size_x, unconst_bin_size_y, unconst_derivs):
    n = x.shape[0]

    vals_sc, parts_sc = _sc_call(
        x[:_NSC],
        unconst_bin_size_x[:_NSC],
        unconst_bin_size_y[:_NSC],
        unconst_derivs[:_NSC])

    ntc = n - _NSC
    np4 = ntc // _PACK
    r = _BLOCK
    grid = np4 // r
    x4 = x[_NSC:].reshape(np4, _PACK)
    ubx = unconst_bin_size_x[_NSC:].reshape(np4, _L)
    uby = unconst_bin_size_y[_NSC:].reshape(np4, _L)
    ud = unconst_derivs[_NSC:].reshape(np4, _LD)
    mats = _seg_matrices()

    const_spec = [
        pl.BlockSpec(m.shape, lambda i: (0, 0)) for m in mats
    ]
    vals, acc = pl.pallas_call(
        _spline_body,
        grid=(grid,),
        in_specs=[
            pl.BlockSpec((r, _PACK), lambda i: (i, 0)),
            pl.BlockSpec((r, _L), lambda i: (i, 0)),
            pl.BlockSpec((r, _L), lambda i: (i, 0)),
            pl.BlockSpec((r, _LD), lambda i: (i, 0)),
        ] + const_spec,
        out_specs=[
            pl.BlockSpec((r, _PACK), lambda i: (i, 0)),
            pl.BlockSpec((1, 1), lambda i: (0, 0)),
        ],
        out_shape=[
            jax.ShapeDtypeStruct((np4, _PACK), jnp.float32),
            jax.ShapeDtypeStruct((1, 1), jnp.float32),
        ],
    )(x4, ubx, uby, ud, *mats)
    out_vals = jnp.concatenate([vals_sc, vals.reshape(ntc)])
    logdet = acc.reshape(()) + jnp.sum(parts_sc)
    return out_vals, logdet

# --- scband reference (transcript-rebuilt; emitter-appended) ---
"""Pipeline reference for scband-rational-quadratic-spline-25812753449492 (READ-ONLY COPY).

The authoritative reference and input builder live on the scoring server;
editing this copy changes nothing except your own understanding.
"""

import jax, jax.numpy as jnp
import numpy as np

NUM_DIM = 262144
NUM_BINS = 32
LOWER_LIM = -3.0
UPPER_LIM = 3.0
MIN_BIN_SIZE = 0.01
MIN_DERIVATIVE = 0.01


def rational_quadratic_spline(x, bin_positions, bin_heights, derivatives):
    bin_index = jnp.searchsorted(bin_positions, x)
    array_index = bin_index % bin_positions.shape[0]
    lower_x = bin_positions[array_index - 1]
    upper_x = bin_positions[array_index]
    lower_y = bin_heights[array_index - 1]
    upper_y = bin_heights[array_index]
    lower_deriv = derivatives[array_index - 1]
    upper_deriv = derivatives[array_index]
    delta_x = upper_x - lower_x
    delta_y = upper_y - lower_y
    slope = delta_y / delta_x
    alpha = (x - lower_x) / delta_x
    alpha_squared = jnp.square(alpha)
    beta = alpha * (1.0 - alpha)
    gamma = jnp.square(1.0 - alpha)
    epsilon = upper_deriv + lower_deriv - 2.0 * slope
    numerator_quadratic = delta_y * (slope * alpha_squared + lower_deriv * beta)
    denominator_quadratic = slope + epsilon * beta
    interp_x = lower_y + numerator_quadratic / denominator_quadratic
    numerator_deriv = jnp.square(slope) * (
        upper_deriv * alpha_squared + 2.0 * slope * beta + lower_deriv * gamma)
    sqrt_denominator_deriv = slope + epsilon * beta
    denominator_deriv = jnp.square(sqrt_denominator_deriv)
    deriv = numerator_deriv / denominator_deriv
    return interp_x, deriv


def identity_padded_rational_quadratic_spline(x, bin_positions, bin_heights, derivatives):
    lower_limit = bin_positions[0]
    upper_limit = bin_positions[-1]
    full_bin_heights = jnp.concatenate(
        (jnp.atleast_1d(lower_limit), bin_heights, jnp.atleast_1d(upper_limit)))
    full_derivatives = jnp.concatenate(
        (jnp.ones((1,), dtype=derivatives.dtype), derivatives,
         jnp.ones((1,), dtype=derivatives.dtype)))
    in_range = jnp.logical_and(jnp.greater(x, lower_limit), jnp.less(x, upper_limit))
    multiplier = in_range * 1.0
    multiplier_complement = jnp.logical_not(in_range) * 1.0
    spline_val, spline_deriv = rational_quadratic_spline(
        x, bin_positions, full_bin_heights, full_derivatives)
    val = spline_val * multiplier + multiplier_complement * x
    deriv = spline_deriv * multiplier + multiplier_complement * 1.0
    return val, deriv


def _forward(x, unconst_bin_size_x, unconst_bin_size_y, unconst_derivs):
    num_dim = x.shape[0]

    def normalize_bin_sizes(unconst_bin_sizes):
        bin_range = UPPER_LIM - LOWER_LIM
        reduced_bin_range = bin_range - NUM_BINS * MIN_BIN_SIZE
        return jax.nn.softmax(unconst_bin_sizes) * reduced_bin_range + MIN_BIN_SIZE

    batched_normalize = jax.vmap(normalize_bin_sizes)
    bin_sizes_x = batched_normalize(unconst_bin_size_x)
    bin_sizes_y = batched_normalize(unconst_bin_size_y)
    lower_lim_array = LOWER_LIM * jnp.ones((num_dim, 1), dtype=x.dtype)
    bin_positions_x = jnp.concatenate(
        (lower_lim_array, jnp.cumsum(bin_sizes_x, axis=1) + LOWER_LIM), axis=1)
    bin_positions_y = jnp.concatenate(
        (lower_lim_array, jnp.cumsum(bin_sizes_y, axis=1) + LOWER_LIM), axis=1)

    def normalize_derivatives(unconst_derivatives):
        return jax.nn.softplus(unconst_derivatives) + MIN_DERIVATIVE

    derivs = jax.vmap(normalize_derivatives)(unconst_derivs)
    internal_heights = bin_positions_y[:, 1:-1]
    vals, point_derivs = jax.vmap(identity_padded_rational_quadratic_spline)(
        x, bin_positions_x, internal_heights, derivs)
    log_abs_det_jac = jnp.sum(jnp.log(jnp.abs(point_derivs)))
    return vals, log_abs_det_jac


def setup_inputs(seed: int = 0) -> dict:
    key = jax.random.key(seed)
    k1, k2, k3, k4 = jax.random.split(key, 4)
    x = jax.random.normal(k1, (NUM_DIM,), dtype=jnp.float32) * 1.5
    unconst_bin_size_x = 1.0 + 0.1 * jax.random.normal(
        k2, (NUM_DIM, NUM_BINS), dtype=jnp.float32)
    unconst_bin_size_y = 1.0 + 0.1 * jax.random.normal(
        k3, (NUM_DIM, NUM_BINS), dtype=jnp.float32)
    deriv_init = float(np.log(np.exp(1.0 - MIN_DERIVATIVE) - 1.0))
    unconst_derivs = deriv_init + 0.1 * jax.random.normal(
        k4, (NUM_DIM, NUM_BINS - 1), dtype=jnp.float32)
    return {
        'x': x,
        'unconst_bin_size_x': unconst_bin_size_x,
        'unconst_bin_size_y': unconst_bin_size_y,
        'unconst_derivs': unconst_derivs,
    }


def reference(x, unconst_bin_size_x, unconst_bin_size_y, unconst_derivs):
    return _forward(x, unconst_bin_size_x, unconst_bin_size_y, unconst_derivs)

if __name__ == "__main__":
    import jax
    _d = setup_inputs()
    print(jax.jit(kernel)(*tuple(_d.values())))

</pallas_src>

<mosaic_0001>
#map = affine_map<(d0, d1) -> (0)>
#map1 = affine_map<(d0, d1) -> (0, 0)>
module attributes {stable_mosaic.version = 14 : i64} {
  func.func @_sc_spline(%arg0: i32, %arg1: i32, %arg2: memref<81920xf32, #tpu.memory_space<hbm>>, %arg3: memref<81920x32xf32, #tpu.memory_space<hbm>>, %arg4: memref<81920x32xf32, #tpu.memory_space<hbm>>, %arg5: memref<81920x31xf32, #tpu.memory_space<hbm>>, %arg6: memref<81920xf32, #tpu.memory_space<hbm>>, %arg7: memref<32x16xf32, #tpu.memory_space<hbm>>, %arg8: memref<16xf32, #tpu.memory_space<vmem>>, %arg9: memref<16x32xf32, #tpu.memory_space<vmem>>, %arg10: memref<16x32xf32, #tpu.memory_space<vmem>>, %arg11: memref<16x31xf32, #tpu.memory_space<vmem>>, %arg12: memref<16xf32, #tpu.memory_space<vmem>>, %arg13: memref<16xf32, #tpu.memory_space<vmem>>) attributes {dimension_semantics = [#tpu.dimension_semantics<core_parallel>, #tpu.dimension_semantics<subcore_parallel>], iteration_bounds = array<i64: 2, 16>, scalar_prefetch = 0 : i64, scratch_operands = 6 : i64, tpu.core_type = #tpu.core_type<sc_vector_subcore>, window_params = [{transform_indices = #map}, {transform_indices = #map1}, {transform_indices = #map1}, {transform_indices = #map1}, {transform_indices = #map}, {transform_indices = #map1}]} {
    %mul3A = arith.constant 2 : i32
    %mul3A_0 = arith.muli %arg1, %mul3A : i32
    %add3A = arith.addi %mul3A_0, %arg0 : i32
    %iota3A = tpu.iota {dimensions = array<i32: 0>} : vector<16xi32>
    %mul3A_1 = arith.constant 32 : i32
    %mul3A_2 = vector.broadcast %mul3A_1 : i32 to vector<16xi32>
    %mul3A_3 = arith.muli %iota3A, %mul3A_2 : vector<16xi32>
    %mul3A_4 = arith.constant 31 : i32
    %mul3A_5 = vector.broadcast %mul3A_4 : i32 to vector<16xi32>
    %mul3A_6 = arith.muli %iota3A, %mul3A_5 : vector<16xi32>
    %broadcast_in_dim3A = arith.constant 0.000000e+00 : f32
    %broadcast_in_dim3A_7 = vector.broadcast %broadcast_in_dim3A : f32 to vector<16xf32>
    %scan3A = arith.constant 0 : i32
    %scan3A_8 = arith.constant 160 : i32
    %scan3A_9 = arith.addi %scan3A, %scan3A_8 : i32
    %scan3A_10 = arith.constant 1 : i32
    %scan3A_11 = scf.for %scan3A_14 = %scan3A to %scan3A_9 step %scan3A_10 iter_args(%scan3A_15 = %broadcast_in_dim3A_7) -> (vector<16xf32>)  : i32 {
      %mul3A_16 = arith.constant 2560 : i32
      %mul3A_17 = arith.muli %add3A, %mul3A_16 : i32
      %mul3A_18 = arith.constant 16 : i32
      %mul3A_19 = arith.muli %scan3A_14, %mul3A_18 : i32
      %add3A_20 = arith.addi %mul3A_17, %mul3A_19 : i32
      "tpu.region"() ({
        %run_scoped3A = tpu.sem_alloc : memref<!tpu.dma_semaphore, #tpu.memory_space<semaphore_mem>>
        %dma_start3A = tpu.memref_slice %arg2[%add3A_20] : memref<81920xf32, #tpu.memory_space<hbm>> -> memref<16xf32, #tpu.memory_space<hbm>>
        %dma_start3A_345 = tpu.memref_slice %arg2[%add3A_20] : memref<81920xf32, #tpu.memory_space<hbm>> -> memref<16xf32, #tpu.memory_space<hbm>>
        tpu.enqueue_dma source(%dma_start3A_345 : memref<16xf32, #tpu.memory_space<hbm>>) target(%arg8 : memref<16xf32, #tpu.memory_space<vmem>>) target_semaphore(%run_scoped3A : memref<!tpu.dma_semaphore, #tpu.memory_space<semaphore_mem>>)
        %dma_wait3A = tpu.memref_slice %arg2[%add3A_20] : memref<81920xf32, #tpu.memory_space<hbm>> -> memref<16xf32, #tpu.memory_space<hbm>>
        %dma_wait3A_346 = tpu.memref_slice %arg2[%add3A_20] : memref<81920xf32, #tpu.memory_space<hbm>> -> memref<16xf32, #tpu.memory_space<hbm>>
        tpu.wait_dma2 semaphore(%run_scoped3A : memref<!tpu.dma_semaphore, #tpu.memory_space<semaphore_mem>>) src(%dma_wait3A_346 : memref<16xf32, #tpu.memory_space<hbm>>) dst(%arg8 : memref<16xf32, #tpu.memory_space<vmem>>)
        tpu.yield
      }) : () -> ()
      "tpu.region"() ({
        %run_scoped3A = tpu.sem_alloc : memref<!tpu.dma_semaphore, #tpu.memory_space<semaphore_mem>>
        %dma_start3A = arith.constant 0 : i32
        %dma_start3A_345 = tpu.memref_slice %arg3[%add3A_20, %dma_start3A] : memref<81920x32xf32, #tpu.memory_space<hbm>> -> memref<16x32xf32, #tpu.memory_space<hbm>>
        %dma_start3A_346 = arith.constant 0 : i32
        %dma_start3A_347 = tpu.memref_slice %arg3[%add3A_20, %dma_start3A_346] : memref<81920x32xf32, #tpu.memory_space<hbm>> -> memref<16x32xf32, #tpu.memory_space<hbm>>
        tpu.enqueue_dma source(%dma_start3A_347 : memref<16x32xf32, #tpu.memory_space<hbm>>) target(%arg9 : memref<16x32xf32, #tpu.memory_space<vmem>>) target_semaphore(%run_scoped3A : memref<!tpu.dma_semaphore, #tpu.memory_space<semaphore_mem>>)
        %dma_wait3A = arith.constant 0 : i32
        %dma_wait3A_348 = tpu.memref_slice %arg3[%add3A_20, %dma_wait3A] : memref<81920x32xf32, #tpu.memory_space<hbm>> -> memref<16x32xf32, #tpu.memory_space<hbm>>
        %dma_wait3A_349 = arith.constant 0 : i32
        %dma_wait3A_350 = tpu.memref_slice %arg3[%add3A_20, %dma_wait3A_349] : memref<81920x32xf32, #tpu.memory_space<hbm>> -> memref<16x32xf32, #tpu.memory_space<hbm>>
        tpu.wait_dma2 semaphore(%run_scoped3A : memref<!tpu.dma_semaphore, #tpu.memory_space<semaphore_mem>>) src(%dma_wait3A_350 : memref<16x32xf32, #tpu.memory_space<hbm>>) dst(%arg9 : memref<16x32xf32, #tpu.memory_space<vmem>>)
        tpu.yield
      }) : () -> ()
      "tpu.region"() ({
        %run_scoped3A = tpu.sem_alloc : memref<!tpu.dma_semaphore, #tpu.memory_space<semaphore_mem>>
        %dma_start3A = arith.constant 0 : i32
        %dma_start3A_345 = tpu.memref_slice %arg4[%add3A_20, %dma_start3A] : memref<81920x32xf32, #tpu.memory_space<hbm>> -> memref<16x32xf32, #tpu.memory_space<hbm>>
        %dma_start3A_346 = arith.constant 0 : i32
        %dma_start3A_347 = tpu.memref_slice %arg4[%add3A_20, %dma_start3A_346] : memref<81920x32xf32, #tpu.memory_space<hbm>> -> memref<16x32xf32, #tpu.memory_space<hbm>>
        tpu.enqueue_dma source(%dma_start3A_347 : memref<16x32xf32, #tpu.memory_space<hbm>>) target(%arg10 : memref<16x32xf32, #tpu.memory_space<vmem>>) target_semaphore(%run_scoped3A : memref<!tpu.dma_semaphore, #tpu.memory_space<semaphore_mem>>)
        %dma_wait3A = arith.constant 0 : i32
        %dma_wait3A_348 = tpu.memref_slice %arg4[%add3A_20, %dma_wait3A] : memref<81920x32xf32, #tpu.memory_space<hbm>> -> memref<16x32xf32, #tpu.memory_space<hbm>>
        %dma_wait3A_349 = arith.constant 0 : i32
        %dma_wait3A_350 = tpu.memref_slice %arg4[%add3A_20, %dma_wait3A_349] : memref<81920x32xf32, #tpu.memory_space<hbm>> -> memref<16x32xf32, #tpu.memory_space<hbm>>
        tpu.wait_dma2 semaphore(%run_scoped3A : memref<!tpu.dma_semaphore, #tpu.memory_space<semaphore_mem>>) src(%dma_wait3A_350 : memref<16x32xf32, #tpu.memory_space<hbm>>) dst(%arg10 : memref<16x32xf32, #tpu.memory_space<vmem>>)
        tpu.yield
      }) : () -> ()
      "tpu.region"() ({
        %run_scoped3A = tpu.sem_alloc : memref<!tpu.dma_semaphore, #tpu.memory_space<semaphore_mem>>
        %dma_start3A = arith.constant 0 : i32
        %dma_start3A_345 = tpu.memref_slice %arg5[%add3A_20, %dma_start3A] : memref<81920x31xf32, #tpu.memory_space<hbm>> -> memref<16x31xf32, #tpu.memory_space<hbm>>
        %dma_start3A_346 = arith.constant 0 : i32
        %dma_start3A_347 = tpu.memref_slice %arg5[%add3A_20, %dma_start3A_346] : memref<81920x31xf32, #tpu.memory_space<hbm>> -> memref<16x31xf32, #tpu.memory_space<hbm>>
        tpu.enqueue_dma source(%dma_start3A_347 : memref<16x31xf32, #tpu.memory_space<hbm>>) target(%arg11 : memref<16x31xf32, #tpu.memory_space<vmem>>) target_semaphore(%run_scoped3A : memref<!tpu.dma_semaphore, #tpu.memory_space<semaphore_mem>>)
        %dma_wait3A = arith.constant 0 : i32
        %dma_wait3A_348 = tpu.memref_slice %arg5[%add3A_20, %dma_wait3A] : memref<81920x31xf32, #tpu.memory_space<hbm>> -> memref<16x31xf32, #tpu.memory_space<hbm>>
        %dma_wait3A_349 = arith.constant 0 : i32
        %dma_wait3A_350 = tpu.memref_slice %arg5[%add3A_20, %dma_wait3A_349] : memref<81920x31xf32, #tpu.memory_space<hbm>> -> memref<16x31xf32, #tpu.memory_space<hbm>>
        tpu.wait_dma2 semaphore(%run_scoped3A : memref<!tpu.dma_semaphore, #tpu.memory_space<semaphore_mem>>) src(%dma_wait3A_350 : memref<16x31xf32, #tpu.memory_space<hbm>>) dst(%arg11 : memref<16x31xf32, #tpu.memory_space<vmem>>)
        tpu.yield
      }) : () -> ()
      %get3A = arith.constant 0 : index
      %get3A_21 = tpu.vector_load %arg8[%get3A] {strides = array<i32>} : memref<16xf32, #tpu.memory_space<vmem>>, vector<16xf32>,
      %scan3A_22 = arith.constant 0 : i32
      %scan3A_23 = arith.constant 32 : i32
      %scan3A_24 = arith.addi %scan3A_22, %scan3A_23 : i32
      %scan3A_25 = arith.constant 1 : i32
      %scan3A_26:2 = scf.for %scan3A_345 = %scan3A_22 to %scan3A_24 step %scan3A_25 iter_args(%scan3A_346 = %broadcast_in_dim3A_7, %scan3A_347 = %broadcast_in_dim3A_7) -> (vector<16xf32>, vector<16xf32>)  : i32 {
        %mul3A_348 = arith.constant 0 : i32
        %mul3A_349 = vector.broadcast %mul3A_348 : i32 to vector<16xi32>
        %mul3A_350 = arith.muli %iota3A, %mul3A_349 : vector<16xi32>
        %add3A_351 = vector.broadcast %scan3A_345 : i32 to vector<16xi32>
        %add3A_352 = arith.addi %mul3A_350, %add3A_351 : vector<16xi32>
        %gather3A_353 = tpu.vector_load_idx %arg9[%iota3A, %add3A_352] : memref<16x32xf32, #tpu.memory_space<vmem>>[vector<16xi32>, vector<16xi32>], vector<16xf32>,
        %exp3A_354 = math.exp %gather3A_353 : vector<16xf32>
        %gather3A_355 = tpu.vector_load_idx %arg10[%iota3A, %add3A_352] : memref<16x32xf32, #tpu.memory_space<vmem>>[vector<16xi32>, vector<16xi32>], vector<16xf32>,
        %exp3A_356 = math.exp %gather3A_355 : vector<16xf32>
        %add3A_357 = arith.addf %scan3A_346, %exp3A_354 : vector<16xf32>
        %add3A_358 = arith.addf %scan3A_347, %exp3A_356 : vector<16xf32>
        scf.yield %add3A_357, %add3A_358 : vector<16xf32>, vector<16xf32>
      }
      %scan3A_27 = arith.constant 32 : i32
      %div3A = arith.constant 5.680000e+00 : f32
      %div3A_28 = vector.broadcast %div3A : f32 to vector<16xf32>
      %div3A_29 = arith.divf %div3A_28, %scan3A_26#0 : vector<16xf32>
      %div3A_30 = arith.constant 5.680000e+00 : f32
      %div3A_31 = vector.broadcast %div3A_30 : f32 to vector<16xf32>
      %div3A_32 = arith.divf %div3A_31, %scan3A_26#1 : vector<16xf32>
      %jit3A = arith.constant -3.000000e+00 : f32
      %jit3A_33 = arith.constant 3.000000e+00 : f32
      %max3A = vector.broadcast %jit3A : f32 to vector<16xf32>
      %max3A_34 = arith.maximumf %max3A, %get3A_21 : vector<16xf32>
      %min3A = vector.broadcast %jit3A_33 : f32 to vector<16xf32>
      %min3A_35 = arith.minimumf %min3A, %max3A_34 : vector<16xf32>
      %gt3A = arith.constant -3.000000e+00 : f32
      %gt3A_36 = vector.broadcast %gt3A : f32 to vector<16xf32>
      %gt3A_37 = arith.cmpf ogt, %get3A_21, %gt3A_36 : vector<16xf32>
      %lt3A = arith.constant 3.000000e+00 : f32
      %lt3A_38 = vector.broadcast %lt3A : f32 to vector<16xf32>
      %lt3A_39 = arith.cmpf olt, %get3A_21, %lt3A_38 : vector<16xf32>
      %and3A = arith.andi %gt3A_37, %lt3A_39 : vector<16xi1>
      %add3A_40 = arith.constant -3.000000e+00 : f32
      %add3A_41 = vector.broadcast %add3A_40 : f32 to vector<16xf32>
      %add3A_42 = arith.addf %broadcast_in_dim3A_7, %add3A_41 : vector<16xf32>
      %add3A_43 = arith.constant -3.000000e+00 : f32
      %add3A_44 = vector.broadcast %add3A_43 : f32 to vector<16xf32>
      %add3A_45 = arith.addf %broadcast_in_dim3A_7, %add3A_44 : vector<16xf32>
      %add3A_46 = arith.constant 1.000000e+00 : f32
      %add3A_47 = vector.broadcast %add3A_46 : f32 to vector<16xf32>
      %add3A_48 = arith.addf %broadcast_in_dim3A_7, %add3A_47 : vector<16xf32>
      %add3A_49 = arith.constant 1.000000e+00 : f32
      %add3A_50 = vector.broadcast %add3A_49 : f32 to vector<16xf32>
      %add3A_51 = arith.addf %broadcast_in_dim3A_7, %add3A_50 : vector<16xf32>
      %scan3A_52 = arith.constant 0 : i32
      %scan3A_53 = arith.constant 32 : i32
      %scan3A_54 = arith.addi %scan3A_52, %scan3A_53 : i32
      %scan3A_55 = arith.constant 1 : i32
      %scan3A_56:8 = scf.for %scan3A_345 = %scan3A_52 to %scan3A_54 step %scan3A_55 iter_args(%scan3A_346 = %broadcast_in_dim3A_7, %scan3A_347 = %broadcast_in_dim3A_7, %scan3A_348 = %broadcast_in_dim3A_7, %scan3A_349 = %add3A_42, %scan3A_350 = %add3A_45, %scan3A_351 = %add3A_48, %scan3A_352 = %add3A_51, %scan3A_353 = %broadcast_in_dim3A_7) -> (vector<16xf32>, vector<16xf32>, vector<16xf32>, vector<16xf32>, vector<16xf32>, vector<16xf32>, vector<16xf32>, vector<16xf32>)  : i32 {
        %mul3A_354 = arith.constant 0 : i32
        %mul3A_355 = vector.broadcast %mul3A_354 : i32 to vector<16xi32>
        %mul3A_356 = arith.muli %iota3A, %mul3A_355 : vector<16xi32>
        %add3A_357 = vector.broadcast %scan3A_345 : i32 to vector<16xi32>
        %add3A_358 = arith.addi %mul3A_356, %add3A_357 : vector<16xi32>
        %gather3A_359 = tpu.vector_load_idx %arg9[%iota3A, %add3A_358] : memref<16x32xf32, #tpu.memory_space<vmem>>[vector<16xi32>, vector<16xi32>], vector<16xf32>,
        %exp3A_360 = math.exp %gather3A_359 : vector<16xf32>
        %gather3A_361 = tpu.vector_load_idx %arg10[%iota3A, %add3A_358] : memref<16x32xf32, #tpu.memory_space<vmem>>[vector<16xi32>, vector<16xi32>], vector<16xf32>,
        %exp3A_362 = math.exp %gather3A_361 : vector<16xf32>
        %add3A_363 = arith.addf %scan3A_346, %exp3A_360 : vector<16xf32>
        %add3A_364 = arith.addf %scan3A_347, %exp3A_362 : vector<16xf32>
        %add3A_365 = arith.constant 1 : i32
        %add3A_366 = arith.addi %scan3A_345, %add3A_365 : i32
        %convert_element_type3A_367 = arith.sitofp %add3A_366 : i32 to f32
        %mul3A_368 = arith.constant 0.00999999977 : f32
        %mul3A_369 = arith.mulf %mul3A_368, %convert_element_type3A_367 : f32
        %add3A_370 = arith.constant -3.000000e+00 : f32
        %add3A_371 = arith.addf %mul3A_369, %add3A_370 : f32
        %mul3A_372 = arith.mulf %add3A_363, %div3A_29 : vector<16xf32>
        %add3A_373 = vector.broadcast %add3A_371 : f32 to vector<16xf32>
        %add3A_374 = arith.addf %mul3A_372, %add3A_373 : vector<16xf32>
        %mul3A_375 = arith.mulf %add3A_364, %div3A_32 : vector<16xf32>
        %add3A_376 = vector.broadcast %add3A_371 : f32 to vector<16xf32>
        %add3A_377 = arith.addf %mul3A_375, %add3A_376 : vector<16xf32>
        %lt3A_378 = arith.cmpf olt, %add3A_374, %min3A_35 : vector<16xf32>
        %jit3A_379 = arith.constant 1.000000e+00 : f32
        %jit3A_380 = arith.constant 0.000000e+00 : f32
        %broadcast_in_dim3A_381 = vector.broadcast %jit3A_379 : f32 to vector<16xf32>
        %broadcast_in_dim3A_382 = vector.broadcast %jit3A_380 : f32 to vector<16xf32>
        %select_n3A_383 = arith.select %lt3A_378, %broadcast_in_dim3A_381, %broadcast_in_dim3A_382 : vector<16xi1>, vector<16xf32>
        %add3A_384 = arith.addf %scan3A_348, %select_n3A_383 : vector<16xf32>
        %select_n3A_385 = arith.select %lt3A_378, %add3A_374, %scan3A_349 : vector<16xi1>, vector<16xf32>
        %select_n3A_386 = arith.select %lt3A_378, %add3A_377, %scan3A_350 : vector<16xi1>, vector<16xf32>
        %not3A = arith.constant dense<true> : vector<16xi1>
        %not3A_387 = arith.xori %lt3A_378, %not3A : vector<16xi1>
        %eq3A_388 = arith.constant 0.000000e+00 : f32
        %eq3A_389 = vector.broadcast %eq3A_388 : f32 to vector<16xf32>
        %eq3A_390 = arith.cmpf oeq, %scan3A_353, %eq3A_389 : vector<16xf32>
        %and3A_391 = arith.andi %not3A_387, %eq3A_390 : vector<16xi1>
        %mul3A_392 = arith.mulf %exp3A_360, %div3A_29 : vector<16xf32>
        %add3A_393 = arith.constant 0.00999999977 : f32
        %add3A_394 = vector.broadcast %add3A_393 : f32 to vector<16xf32>
        %add3A_395 = arith.addf %mul3A_392, %add3A_394 : vector<16xf32>
        %select_n3A_396 = arith.select %and3A_391, %add3A_395, %scan3A_351 : vector<16xi1>, vector<16xf32>
        %mul3A_397 = arith.mulf %exp3A_362, %div3A_32 : vector<16xf32>
        %add3A_398 = arith.constant 0.00999999977 : f32
        %add3A_399 = vector.broadcast %add3A_398 : f32 to vector<16xf32>
        %add3A_400 = arith.addf %mul3A_397, %add3A_399 : vector<16xf32>
        %select_n3A_401 = arith.select %and3A_391, %add3A_400, %scan3A_352 : vector<16xi1>, vector<16xf32>
        %jit3A_402 = arith.constant 1.000000e+00 : f32
        %broadcast_in_dim3A_403 = vector.broadcast %jit3A_402 : f32 to vector<16xf32>
        %select_n3A_404 = arith.select %and3A_391, %broadcast_in_dim3A_403, %scan3A_353 : vector<16xi1>, vector<16xf32>
        scf.yield %add3A_363, %add3A_364, %add3A_384, %select_n3A_385, %select_n3A_386, %select_n3A_396, %select_n3A_401, %select_n3A_404 : vector<16xf32>, vector<16xf32>, vector<16xf32>, vector<16xf32>, vector<16xf32>, vector<16xf32>, vector<16xf32>, vector<16xf32>
      }
      %scan3A_57 = arith.constant 32 : i32
      %convert_element_type3A = arith.fptosi %scan3A_56#2 : vector<16xf32> to vector<16xi32>
      %eq3A = arith.constant 0.000000e+00 : f32
      %eq3A_58 = vector.broadcast %eq3A : f32 to vector<16xf32>
      %eq3A_59 = arith.cmpf oeq, %scan3A_56#2, %eq3A_58 : vector<16xf32>
      %eq3A_60 = arith.constant 3.100000e+01 : f32
      %eq3A_61 = vector.broadcast %eq3A_60 : f32 to vector<16xf32>
      %eq3A_62 = arith.cmpf oeq, %scan3A_56#2, %eq3A_61 : vector<16xf32>
      %sub3A = arith.constant 3.000000e+00 : f32
      %sub3A_63 = vector.broadcast %sub3A : f32 to vector<16xf32>
      %sub3A_64 = arith.subf %sub3A_63, %scan3A_56#4 : vector<16xf32>
      %select_n3A = arith.select %eq3A_62, %sub3A_64, %scan3A_56#6 : vector<16xi1>, vector<16xf32>
      %sub3A_65 = arith.constant 1 : i32
      %sub3A_66 = vector.broadcast %sub3A_65 : i32 to vector<16xi32>
      %sub3A_67 = arith.subi %convert_element_type3A, %sub3A_66 : vector<16xi32>
      %max3A_68 = arith.constant 0 : i32
      %max3A_69 = vector.broadcast %max3A_68 : i32 to vector<16xi32>
      %max3A_70 = arith.maxsi %sub3A_67, %max3A_69 : vector<16xi32>
      %min3A_71 = arith.constant 30 : i32
      %min3A_72 = vector.broadcast %min3A_71 : i32 to vector<16xi32>
      %min3A_73 = arith.minsi %convert_element_type3A, %min3A_72 : vector<16xi32>
      %gather3A = tpu.vector_load_idx %arg11[%iota3A, %max3A_70] : memref<16x31xf32, #tpu.memory_space<vmem>>[vector<16xi32>, vector<16xi32>], vector<16xf32>,
      %gather3A_74 = tpu.vector_load_idx %arg11[%iota3A, %min3A_73] : memref<16x31xf32, #tpu.memory_space<vmem>>[vector<16xi32>, vector<16xi32>], vector<16xf32>,
      %max3A_75 = arith.constant 0.000000e+00 : f32
      %max3A_76 = vector.broadcast %max3A_75 : f32 to vector<16xf32>
      %max3A_77 = arith.maximumf %gather3A, %max3A_76 : vector<16xf32>
      %abs3A = math.absf %gather3A : vector<16xf32>
      %neg3A = arith.constant 0.000000e+00 : f32
      %neg3A_78 = vector.broadcast %neg3A : f32 to vector<16xf32>
      %neg3A_79 = arith.subf %neg3A_78, %abs3A : vector<16xf32>
      %exp3A = math.exp %neg3A_79 : vector<16xf32>
      %add3A_80 = arith.constant 1.000000e+00 : f32
      %add3A_81 = vector.broadcast %add3A_80 : f32 to vector<16xf32>
      %add3A_82 = arith.addf %add3A_81, %exp3A : vector<16xf32>
      %bitcast3A = vector.bitcast %add3A_82 : vector<16xf32> to vector<16xi32>
      %shift_right_arithmetic3A = arith.constant 23 : i32
      %shift_right_arithmetic3A_83 = vector.broadcast %shift_right_arithmetic3A : i32 to vector<16xi32>
      %shift_right_arithmetic3A_84 = arith.shrsi %bitcast3A, %shift_right_arithmetic3A_83 : vector<16xi32>
      %sub3A_85 = arith.constant 127 : i32
      %sub3A_86 = vector.broadcast %sub3A_85 : i32 to vector<16xi32>
      %sub3A_87 = arith.subi %shift_right_arithmetic3A_84, %sub3A_86 : vector<16xi32>
      %and3A_88 = arith.constant 8388607 : i32
      %and3A_89 = vector.broadcast %and3A_88 : i32 to vector<16xi32>
      %and3A_90 = arith.andi %bitcast3A, %and3A_89 : vector<16xi32>
      %or3A = arith.constant 1065353216 : i32
      %or3A_91 = vector.broadcast %or3A : i32 to vector<16xi32>
      %or3A_92 = arith.ori %and3A_90, %or3A_91 : vector<16xi32>
      %bitcast3A_93 = vector.bitcast %or3A_92 : vector<16xi32> to vector<16xf32>
      %gt3A_94 = arith.constant 1.41421354 : f32
      %gt3A_95 = vector.broadcast %gt3A_94 : f32 to vector<16xf32>
      %gt3A_96 = arith.cmpf ogt, %bitcast3A_93, %gt3A_95 : vector<16xf32>
      %mul3A_97 = arith.constant 5.000000e-01 : f32
      %mul3A_98 = vector.broadcast %mul3A_97 : f32 to vector<16xf32>
      %mul3A_99 = arith.mulf %bitcast3A_93, %mul3A_98 : vector<16xf32>
      %select_n3A_100 = arith.select %gt3A_96, %mul3A_99, %bitcast3A_93 : vector<16xi1>, vector<16xf32>
      %convert_element_type3A_101 = arith.sitofp %sub3A_87 : vector<16xi32> to vector<16xf32>
      %jit3A_102 = arith.constant 1.000000e+00 : f32
      %jit3A_103 = arith.constant 0.000000e+00 : f32
      %broadcast_in_dim3A_104 = vector.broadcast %jit3A_102 : f32 to vector<16xf32>
      %broadcast_in_dim3A_105 = vector.broadcast %jit3A_103 : f32 to vector<16xf32>
      %select_n3A_106 = arith.select %gt3A_96, %broadcast_in_dim3A_104, %broadcast_in_dim3A_105 : vector<16xi1>, vector<16xf32>
      %add3A_107 = arith.addf %convert_element_type3A_101, %select_n3A_106 : vector<16xf32>
      %sub3A_108 = arith.constant 1.000000e+00 : f32
      %sub3A_109 = vector.broadcast %sub3A_108 : f32 to vector<16xf32>
      %sub3A_110 = arith.subf %select_n3A_100, %sub3A_109 : vector<16xf32>
      %add3A_111 = arith.constant 1.000000e+00 : f32
      %add3A_112 = vector.broadcast %add3A_111 : f32 to vector<16xf32>
      %add3A_113 = arith.addf %select_n3A_100, %add3A_112 : vector<16xf32>
      %div3A_114 = arith.divf %sub3A_110, %add3A_113 : vector<16xf32>
      %mul3A_115 = arith.mulf %div3A_114, %div3A_114 : vector<16xf32>
      %div3A_116 = arith.constant 9.000000e+00 : f32
      %div3A_117 = vector.broadcast %div3A_116 : f32 to vector<16xf32>
      %div3A_118 = arith.divf %mul3A_115, %div3A_117 : vector<16xf32>
      %add3A_119 = arith.constant 0.142857149 : f32
      %add3A_120 = vector.broadcast %add3A_119 : f32 to vector<16xf32>
      %add3A_121 = arith.addf %add3A_120, %div3A_118 : vector<16xf32>
      %mul3A_122 = arith.mulf %mul3A_115, %add3A_121 : vector<16xf32>
      %add3A_123 = arith.constant 2.000000e-01 : f32
      %add3A_124 = vector.broadcast %add3A_123 : f32 to vector<16xf32>
      %add3A_125 = arith.addf %add3A_124, %mul3A_122 : vector<16xf32>
      %mul3A_126 = arith.mulf %mul3A_115, %add3A_125 : vector<16xf32>
      %add3A_127 = arith.constant 0.333333343 : f32
      %add3A_128 = vector.broadcast %add3A_127 : f32 to vector<16xf32>
      %add3A_129 = arith.addf %add3A_128, %mul3A_126 : vector<16xf32>
      %mul3A_130 = arith.mulf %mul3A_115, %add3A_129 : vector<16xf32>
      %add3A_131 = arith.constant 1.000000e+00 : f32
      %add3A_132 = vector.broadcast %add3A_131 : f32 to vector<16xf32>
      %add3A_133 = arith.addf %add3A_132, %mul3A_130 : vector<16xf32>
      %mul3A_134 = arith.constant 2.000000e+00 : f32
      %mul3A_135 = vector.broadcast %mul3A_134 : f32 to vector<16xf32>
      %mul3A_136 = arith.mulf %mul3A_135, %div3A_114 : vector<16xf32>
      %mul3A_137 = arith.mulf %mul3A_136, %add3A_133 : vector<16xf32>
      %mul3A_138 = arith.constant 0.693147182 : f32
      %mul3A_139 = vector.broadcast %mul3A_138 : f32 to vector<16xf32>
      %mul3A_140 = arith.mulf %mul3A_139, %add3A_107 : vector<16xf32>
      %add3A_141 = arith.addf %mul3A_137, %mul3A_140 : vector<16xf32>
      %add3A_142 = arith.addf %max3A_77, %add3A_141 : vector<16xf32>
      %add3A_143 = arith.constant 0.00999999977 : f32
      %add3A_144 = vector.broadcast %add3A_143 : f32 to vector<16xf32>
      %add3A_145 = arith.addf %add3A_142, %add3A_144 : vector<16xf32>
      %jit3A_146 = arith.constant 1.000000e+00 : f32
      %broadcast_in_dim3A_147 = vector.broadcast %jit3A_146 : f32 to vector<16xf32>
      %select_n3A_148 = arith.select %eq3A_59, %broadcast_in_dim3A_147, %add3A_145 : vector<16xi1>, vector<16xf32>
      %max3A_149 = arith.constant 0.000000e+00 : f32
      %max3A_150 = vector.broadcast %max3A_149 : f32 to vector<16xf32>
      %max3A_151 = arith.maximumf %gather3A_74, %max3A_150 : vector<16xf32>
      %abs3A_152 = math.absf %gather3A_74 : vector<16xf32>
      %neg3A_153 = arith.constant 0.000000e+00 : f32
      %neg3A_154 = vector.broadcast %neg3A_153 : f32 to vector<16xf32>
      %neg3A_155 = arith.subf %neg3A_154, %abs3A_152 : vector<16xf32>
      %exp3A_156 = math.exp %neg3A_155 : vector<16xf32>
      %add3A_157 = arith.constant 1.000000e+00 : f32
      %add3A_158 = vector.broadcast %add3A_157 : f32 to vector<16xf32>
      %add3A_159 = arith.addf %add3A_158, %exp3A_156 : vector<16xf32>
      %bitcast3A_160 = vector.bitcast %add3A_159 : vector<16xf32> to vector<16xi32>
      %shift_right_arithmetic3A_161 = arith.constant 23 : i32
      %shift_right_arithmetic3A_162 = vector.broadcast %shift_right_arithmetic3A_161 : i32 to vector<16xi32>
      %shift_right_arithmetic3A_163 = arith.shrsi %bitcast3A_160, %shift_right_arithmetic3A_162 : vector<16xi32>
      %sub3A_164 = arith.constant 127 : i32
      %sub3A_165 = vector.broadcast %sub3A_164 : i32 to vector<16xi32>
      %sub3A_166 = arith.subi %shift_right_arithmetic3A_163, %sub3A_165 : vector<16xi32>
      %and3A_167 = arith.constant 8388607 : i32
      %and3A_168 = vector.broadcast %and3A_167 : i32 to vector<16xi32>
      %and3A_169 = arith.andi %bitcast3A_160, %and3A_168 : vector<16xi32>
      %or3A_170 = arith.constant 1065353216 : i32
      %or3A_171 = vector.broadcast %or3A_170 : i32 to vector<16xi32>
      %or3A_172 = arith.ori %and3A_169, %or3A_171 : vector<16xi32>
      %bitcast3A_173 = vector.bitcast %or3A_172 : vector<16xi32> to vector<16xf32>
      %gt3A_174 = arith.constant 1.41421354 : f32
      %gt3A_175 = vector.broadcast %gt3A_174 : f32 to vector<16xf32>
      %gt3A_176 = arith.cmpf ogt, %bitcast3A_173, %gt3A_175 : vector<16xf32>
      %mul3A_177 = arith.constant 5.000000e-01 : f32
      %mul3A_178 = vector.broadcast %mul3A_177 : f32 to vector<16xf32>
      %mul3A_179 = arith.mulf %bitcast3A_173, %mul3A_178 : vector<16xf32>
      %select_n3A_180 = arith.select %gt3A_176, %mul3A_179, %bitcast3A_173 : vector<16xi1>, vector<16xf32>
      %convert_element_type3A_181 = arith.sitofp %sub3A_166 : vector<16xi32> to vector<16xf32>
      %jit3A_182 = arith.constant 1.000000e+00 : f32
      %jit3A_183 = arith.constant 0.000000e+00 : f32
      %broadcast_in_dim3A_184 = vector.broadcast %jit3A_182 : f32 to vector<16xf32>
      %broadcast_in_dim3A_185 = vector.broadcast %jit3A_183 : f32 to vector<16xf32>
      %select_n3A_186 = arith.select %gt3A_176, %broadcast_in_dim3A_184, %broadcast_in_dim3A_185 : vector<16xi1>, vector<16xf32>
      %add3A_187 = arith.addf %convert_element_type3A_181, %select_n3A_186 : vector<16xf32>
      %sub3A_188 = arith.constant 1.000000e+00 : f32
      %sub3A_189 = vector.broadcast %sub3A_188 : f32 to vector<16xf32>
      %sub3A_190 = arith.subf %select_n3A_180, %sub3A_189 : vector<16xf32>
      %add3A_191 = arith.constant 1.000000e+00 : f32
      %add3A_192 = vector.broadcast %add3A_191 : f32 to vector<16xf32>
      %add3A_193 = arith.addf %select_n3A_180, %add3A_192 : vector<16xf32>
      %div3A_194 = arith.divf %sub3A_190, %add3A_193 : vector<16xf32>
      %mul3A_195 = arith.mulf %div3A_194, %div3A_194 : vector<16xf32>
      %div3A_196 = arith.constant 9.000000e+00 : f32
      %div3A_197 = vector.broadcast %div3A_196 : f32 to vector<16xf32>
      %div3A_198 = arith.divf %mul3A_195, %div3A_197 : vector<16xf32>
      %add3A_199 = arith.constant 0.142857149 : f32
      %add3A_200 = vector.broadcast %add3A_199 : f32 to vector<16xf32>
      %add3A_201 = arith.addf %add3A_200, %div3A_198 : vector<16xf32>
      %mul3A_202 = arith.mulf %mul3A_195, %add3A_201 : vector<16xf32>
      %add3A_203 = arith.constant 2.000000e-01 : f32
      %add3A_204 = vector.broadcast %add3A_203 : f32 to vector<16xf32>
      %add3A_205 = arith.addf %add3A_204, %mul3A_202 : vector<16xf32>
      %mul3A_206 = arith.mulf %mul3A_195, %add3A_205 : vector<16xf32>
      %add3A_207 = arith.constant 0.333333343 : f32
      %add3A_208 = vector.broadcast %add3A_207 : f32 to vector<16xf32>
      %add3A_209 = arith.addf %add3A_208, %mul3A_206 : vector<16xf32>
      %mul3A_210 = arith.mulf %mul3A_195, %add3A_209 : vector<16xf32>
      %add3A_211 = arith.constant 1.000000e+00 : f32
      %add3A_212 = vector.broadcast %add3A_211 : f32 to vector<16xf32>
      %add3A_213 = arith.addf %add3A_212, %mul3A_210 : vector<16xf32>
      %mul3A_214 = arith.constant 2.000000e+00 : f32
      %mul3A_215 = vector.broadcast %mul3A_214 : f32 to vector<16xf32>
      %mul3A_216 = arith.mulf %mul3A_215, %div3A_194 : vector<16xf32>
      %mul3A_217 = arith.mulf %mul3A_216, %add3A_213 : vector<16xf32>
      %mul3A_218 = arith.constant 0.693147182 : f32
      %mul3A_219 = vector.broadcast %mul3A_218 : f32 to vector<16xf32>
      %mul3A_220 = arith.mulf %mul3A_219, %add3A_187 : vector<16xf32>
      %add3A_221 = arith.addf %mul3A_217, %mul3A_220 : vector<16xf32>
      %add3A_222 = arith.addf %max3A_151, %add3A_221 : vector<16xf32>
      %add3A_223 = arith.constant 0.00999999977 : f32
      %add3A_224 = vector.broadcast %add3A_223 : f32 to vector<16xf32>
      %add3A_225 = arith.addf %add3A_222, %add3A_224 : vector<16xf32>
      %jit3A_226 = arith.constant 1.000000e+00 : f32
      %broadcast_in_dim3A_227 = vector.broadcast %jit3A_226 : f32 to vector<16xf32>
      %select_n3A_228 = arith.select %eq3A_62, %broadcast_in_dim3A_227, %add3A_225 : vector<16xi1>, vector<16xf32>
      %div3A_229 = arith.constant 1.000000e+00 : f32
      %div3A_230 = vector.broadcast %div3A_229 : f32 to vector<16xf32>
      %div3A_231 = arith.divf %div3A_230, %scan3A_56#5 : vector<16xf32>
      %mul3A_232 = arith.mulf %select_n3A, %div3A_231 : vector<16xf32>
      %sub3A_233 = arith.subf %min3A_35, %scan3A_56#3 : vector<16xf32>
      %mul3A_234 = arith.mulf %sub3A_233, %div3A_231 : vector<16xf32>
      %jit3A_235 = arith.constant 0.000000e+00 : f32
      %jit3A_236 = arith.constant 1.000000e+00 : f32
      %max3A_237 = vector.broadcast %jit3A_235 : f32 to vector<16xf32>
      %max3A_238 = arith.maximumf %max3A_237, %mul3A_234 : vector<16xf32>
      %min3A_239 = vector.broadcast %jit3A_236 : f32 to vector<16xf32>
      %min3A_240 = arith.minimumf %min3A_239, %max3A_238 : vector<16xf32>
      %mul3A_241 = arith.mulf %min3A_240, %min3A_240 : vector<16xf32>
      %sub3A_242 = arith.constant 1.000000e+00 : f32
      %sub3A_243 = vector.broadcast %sub3A_242 : f32 to vector<16xf32>
      %sub3A_244 = arith.subf %sub3A_243, %min3A_240 : vector<16xf32>
      %mul3A_245 = arith.mulf %min3A_240, %sub3A_244 : vector<16xf32>
      %mul3A_246 = arith.mulf %sub3A_244, %sub3A_244 : vector<16xf32>
      %add3A_247 = arith.addf %select_n3A_228, %select_n3A_148 : vector<16xf32>
      %mul3A_248 = arith.constant 2.000000e+00 : f32
      %mul3A_249 = vector.broadcast %mul3A_248 : f32 to vector<16xf32>
      %mul3A_250 = arith.mulf %mul3A_249, %mul3A_232 : vector<16xf32>
      %sub3A_251 = arith.subf %add3A_247, %mul3A_250 : vector<16xf32>
      %mul3A_252 = arith.mulf %sub3A_251, %mul3A_245 : vector<16xf32>
      %add3A_253 = arith.addf %mul3A_232, %mul3A_252 : vector<16xf32>
      %div3A_254 = arith.constant 1.000000e+00 : f32
      %div3A_255 = vector.broadcast %div3A_254 : f32 to vector<16xf32>
      %div3A_256 = arith.divf %div3A_255, %add3A_253 : vector<16xf32>
      %mul3A_257 = arith.mulf %mul3A_232, %mul3A_241 : vector<16xf32>
      %mul3A_258 = arith.mulf %select_n3A_148, %mul3A_245 : vector<16xf32>
      %add3A_259 = arith.addf %mul3A_257, %mul3A_258 : vector<16xf32>
      %mul3A_260 = arith.mulf %select_n3A, %add3A_259 : vector<16xf32>
      %mul3A_261 = arith.mulf %mul3A_260, %div3A_256 : vector<16xf32>
      %add3A_262 = arith.addf %scan3A_56#4, %mul3A_261 : vector<16xf32>
      %mul3A_263 = arith.mulf %mul3A_232, %mul3A_232 : vector<16xf32>
      %mul3A_264 = arith.mulf %select_n3A_228, %mul3A_241 : vector<16xf32>
      %mul3A_265 = arith.constant 2.000000e+00 : f32
      %mul3A_266 = vector.broadcast %mul3A_265 : f32 to vector<16xf32>
      %mul3A_267 = arith.mulf %mul3A_266, %mul3A_232 : vector<16xf32>
      %mul3A_268 = arith.mulf %mul3A_267, %mul3A_245 : vector<16xf32>
      %add3A_269 = arith.addf %mul3A_264, %mul3A_268 : vector<16xf32>
      %mul3A_270 = arith.mulf %select_n3A_148, %mul3A_246 : vector<16xf32>
      %add3A_271 = arith.addf %add3A_269, %mul3A_270 : vector<16xf32>
      %mul3A_272 = arith.mulf %mul3A_263, %add3A_271 : vector<16xf32>
      %mul3A_273 = arith.mulf %div3A_256, %div3A_256 : vector<16xf32>
      %mul3A_274 = arith.mulf %mul3A_272, %mul3A_273 : vector<16xf32>
      %select_n3A_275 = arith.select %and3A, %add3A_262, %get3A_21 : vector<16xi1>, vector<16xf32>
      %jit3A_276 = arith.constant 1.000000e+00 : f32
      %broadcast_in_dim3A_277 = vector.broadcast %jit3A_276 : f32 to vector<16xf32>
      %select_n3A_278 = arith.select %and3A, %mul3A_274, %broadcast_in_dim3A_277 : vector<16xi1>, vector<16xf32>
      %swap3A_279 = arith.constant 0 : index
      %swap3A_280 = tpu.vector_load %arg12[%swap3A_279] {strides = array<i32>} : memref<16xf32, #tpu.memory_space<vmem>>, vector<16xf32>,
      tpu.vector_store %arg12[%swap3A_279], %select_n3A_275 {strides = array<i32>} : memref<16xf32, #tpu.memory_space<vmem>>, vector<16xf32>,
      "tpu.region"() ({
        %run_scoped3A = tpu.sem_alloc : memref<!tpu.dma_semaphore, #tpu.memory_space<semaphore_mem>>
        %dma_start3A = tpu.memref_slice %arg6[%add3A_20] : memref<81920xf32, #tpu.memory_space<hbm>> -> memref<16xf32, #tpu.memory_space<hbm>>
        %dma_start3A_345 = tpu.memref_slice %arg6[%add3A_20] : memref<81920xf32, #tpu.memory_space<hbm>> -> memref<16xf32, #tpu.memory_space<hbm>>
        tpu.enqueue_dma source(%arg12 : memref<16xf32, #tpu.memory_space<vmem>>) target(%dma_start3A_345 : memref<16xf32, #tpu.memory_space<hbm>>) target_semaphore(%run_scoped3A : memref<!tpu.dma_semaphore, #tpu.memory_space<semaphore_mem>>)
        %dma_wait3A = tpu.memref_slice %arg6[%add3A_20] : memref<81920xf32, #tpu.memory_space<hbm>> -> memref<16xf32, #tpu.memory_space<hbm>>
        %dma_wait3A_346 = tpu.memref_slice %arg6[%add3A_20] : memref<81920xf32, #tpu.memory_space<hbm>> -> memref<16xf32, #tpu.memory_space<hbm>>
        tpu.wait_dma2 semaphore(%run_scoped3A : memref<!tpu.dma_semaphore, #tpu.memory_space<semaphore_mem>>) src(%arg12 : memref<16xf32, #tpu.memory_space<vmem>>) dst(%dma_wait3A_346 : memref<16xf32, #tpu.memory_space<hbm>>)
        tpu.yield
      }) : () -> ()
      %abs3A_281 = math.absf %select_n3A_278 : vector<16xf32>
      %bitcast3A_282 = vector.bitcast %abs3A_281 : vector<16xf32> to vector<16xi32>
      %shift_right_arithmetic3A_283 = arith.constant 23 : i32
      %shift_right_arithmetic3A_284 = vector.broadcast %shift_right_arithmetic3A_283 : i32 to vector<16xi32>
      %shift_right_arithmetic3A_285 = arith.shrsi %bitcast3A_282, %shift_right_arithmetic3A_284 : vector<16xi32>
      %sub3A_286 = arith.constant 127 : i32
      %sub3A_287 = vector.broadcast %sub3A_286 : i32 to vector<16xi32>
      %sub3A_288 = arith.subi %shift_right_arithmetic3A_285, %sub3A_287 : vector<16xi32>
      %and3A_289 = arith.constant 8388607 : i32
      %and3A_290 = vector.broadcast %and3A_289 : i32 to vector<16xi32>
      %and3A_291 = arith.andi %bitcast3A_282, %and3A_290 : vector<16xi32>
      %or3A_292 = arith.constant 1065353216 : i32
      %or3A_293 = vector.broadcast %or3A_292 : i32 to vector<16xi32>
      %or3A_294 = arith.ori %and3A_291, %or3A_293 : vector<16xi32>
      %bitcast3A_295 = vector.bitcast %or3A_294 : vector<16xi32> to vector<16xf32>
      %gt3A_296 = arith.constant 1.41421354 : f32
      %gt3A_297 = vector.broadcast %gt3A_296 : f32 to vector<16xf32>
      %gt3A_298 = arith.cmpf ogt, %bitcast3A_295, %gt3A_297 : vector<16xf32>
      %mul3A_299 = arith.constant 5.000000e-01 : f32
      %mul3A_300 = vector.broadcast %mul3A_299 : f32 to vector<16xf32>
      %mul3A_301 = arith.mulf %bitcast3A_295, %mul3A_300 : vector<16xf32>
      %select_n3A_302 = arith.select %gt3A_298, %mul3A_301, %bitcast3A_295 : vector<16xi1>, vector<16xf32>
      %convert_element_type3A_303 = arith.sitofp %sub3A_288 : vector<16xi32> to vector<16xf32>
      %jit3A_304 = arith.constant 1.000000e+00 : f32
      %jit3A_305 = arith.constant 0.000000e+00 : f32
      %broadcast_in_dim3A_306 = vector.broadcast %jit3A_304 : f32 to vector<16xf32>
      %broadcast_in_dim3A_307 = vector.broadcast %jit3A_305 : f32 to vector<16xf32>
      %select_n3A_308 = arith.select %gt3A_298, %broadcast_in_dim3A_306, %broadcast_in_dim3A_307 : vector<16xi1>, vector<16xf32>
      %add3A_309 = arith.addf %convert_element_type3A_303, %select_n3A_308 : vector<16xf32>
      %sub3A_310 = arith.constant 1.000000e+00 : f32
      %sub3A_311 = vector.broadcast %sub3A_310 : f32 to vector<16xf32>
      %sub3A_312 = arith.subf %select_n3A_302, %sub3A_311 : vector<16xf32>
      %add3A_313 = arith.constant 1.000000e+00 : f32
      %add3A_314 = vector.broadcast %add3A_313 : f32 to vector<16xf32>
      %add3A_315 = arith.addf %select_n3A_302, %add3A_314 : vector<16xf32>
      %div3A_316 = arith.divf %sub3A_312, %add3A_315 : vector<16xf32>
      %mul3A_317 = arith.mulf %div3A_316, %div3A_316 : vector<16xf32>
      %div3A_318 = arith.constant 9.000000e+00 : f32
      %div3A_319 = vector.broadcast %div3A_318 : f32 to vector<16xf32>
      %div3A_320 = arith.divf %mul3A_317, %div3A_319 : vector<16xf32>
      %add3A_321 = arith.constant 0.142857149 : f32
      %add3A_322 = vector.broadcast %add3A_321 : f32 to vector<16xf32>
      %add3A_323 = arith.addf %add3A_322, %div3A_320 : vector<16xf32>
      %mul3A_324 = arith.mulf %mul3A_317, %add3A_323 : vector<16xf32>
      %add3A_325 = arith.constant 2.000000e-01 : f32
      %add3A_326 = vector.broadcast %add3A_325 : f32 to vector<16xf32>
      %add3A_327 = arith.addf %add3A_326, %mul3A_324 : vector<16xf32>
      %mul3A_328 = arith.mulf %mul3A_317, %add3A_327 : vector<16xf32>
      %add3A_329 = arith.constant 0.333333343 : f32
      %add3A_330 = vector.broadcast %add3A_329 : f32 to vector<16xf32>
      %add3A_331 = arith.addf %add3A_330, %mul3A_328 : vector<16xf32>
      %mul3A_332 = arith.mulf %mul3A_317, %add3A_331 : vector<16xf32>
      %add3A_333 = arith.constant 1.000000e+00 : f32
      %add3A_334 = vector.broadcast %add3A_333 : f32 to vector<16xf32>
      %add3A_335 = arith.addf %add3A_334, %mul3A_332 : vector<16xf32>
      %mul3A_336 = arith.constant 2.000000e+00 : f32
      %mul3A_337 = vector.broadcast %mul3A_336 : f32 to vector<16xf32>
      %mul3A_338 = arith.mulf %mul3A_337, %div3A_316 : vector<16xf32>
      %mul3A_339 = arith.mulf %mul3A_338, %add3A_335 : vector<16xf32>
      %mul3A_340 = arith.constant 0.693147182 : f32
      %mul3A_341 = vector.broadcast %mul3A_340 : f32 to vector<16xf32>
      %mul3A_342 = arith.mulf %mul3A_341, %add3A_309 : vector<16xf32>
      %add3A_343 = arith.addf %mul3A_339, %mul3A_342 : vector<16xf32>
      %add3A_344 = arith.addf %scan3A_15, %add3A_343 : vector<16xf32>
      scf.yield %add3A_344 : vector<16xf32>
    }
    %scan3A_12 = arith.constant 160 : i32
    %swap3A = arith.constant 0 : index
    %swap3A_13 = tpu.vector_load %arg13[%swap3A] {strides = array<i32>} : memref<16xf32, #tpu.memory_space<vmem>>, vector<16xf32>,
    tpu.vector_store %arg13[%swap3A], %scan3A_11 {strides = array<i32>} : memref<16xf32, #tpu.memory_space<vmem>>, vector<16xf32>,
    "tpu.region"() ({
      %run_scoped3A = tpu.sem_alloc : memref<!tpu.dma_semaphore, #tpu.memory_space<semaphore_mem>>
      %dma_start3A = arith.constant 0 : i32
      %dma_start3A_14 = tpu.memref_slice %arg7[%add3A, %dma_start3A] : memref<32x16xf32, #tpu.memory_space<hbm>> -> memref<1x16xf32, #tpu.memory_space<hbm>>
      %dma_start3A_15 = tpu.memref_squeeze %dma_start3A_14 : memref<1x16xf32, #tpu.memory_space<hbm>> -> memref<16xf32, #tpu.memory_space<hbm>>
      %dma_start3A_16 = arith.constant 0 : i32
      %dma_start3A_17 = tpu.memref_slice %arg7[%add3A, %dma_start3A_16] : memref<32x16xf32, #tpu.memory_space<hbm>> -> memref<1x16xf32, #tpu.memory_space<hbm>>
      %dma_start3A_18 = tpu.memref_squeeze %dma_start3A_17 : memref<1x16xf32, #tpu.memory_space<hbm>> -> memref<16xf32, #tpu.memory_space<hbm>>
      tpu.enqueue_dma source(%arg13 : memref<16xf32, #tpu.memory_space<vmem>>) target(%dma_start3A_18 : memref<16xf32, #tpu.memory_space<hbm>>) target_semaphore(%run_scoped3A : memref<!tpu.dma_semaphore, #tpu.memory_space<semaphore_mem>>)
      %dma_wait3A = arith.constant 0 : i32
      %dma_wait3A_19 = tpu.memref_slice %arg7[%add3A, %dma_wait3A] : memref<32x16xf32, #tpu.memory_space<hbm>> -> memref<1x16xf32, #tpu.memory_space<hbm>>
      %dma_wait3A_20 = tpu.memref_squeeze %dma_wait3A_19 : memref<1x16xf32, #tpu.memory_space<hbm>> -> memref<16xf32, #tpu.memory_space<hbm>>
      %dma_wait3A_21 = arith.constant 0 : i32
      %dma_wait3A_22 = tpu.memref_slice %arg7[%add3A, %dma_wait3A_21] : memref<32x16xf32, #tpu.memory_space<hbm>> -> memref<1x16xf32, #tpu.memory_space<hbm>>
      %dma_wait3A_23 = tpu.memref_squeeze %dma_wait3A_22 : memref<1x16xf32, #tpu.memory_space<hbm>> -> memref<16xf32, #tpu.memory_space<hbm>>
      tpu.wait_dma2 semaphore(%run_scoped3A : memref<!tpu.dma_semaphore, #tpu.memory_space<semaphore_mem>>) src(%arg13 : memref<16xf32, #tpu.memory_space<vmem>>) dst(%dma_wait3A_23 : memref<16xf32, #tpu.memory_space<hbm>>)
      tpu.yield
    }) : () -> ()
    return
  }
}

module attributes {stable_mosaic.version = 14 : i64} {
  func.func @_spline_body(%arg0: i32, %arg1: memref<2048x4xf32, #tpu.memory_space<vmem>>, %arg2: memref<2048x128xf32, #tpu.memory_space<vmem>>, %arg3: memref<2048x128xf32, #tpu.memory_space<vmem>>, %arg4: memref<2048x124xf32, #tpu.memory_space<vmem>>, %arg5: memref<128x256xf32, #tpu.memory_space<vmem>>, %arg6: memref<128x128xf32, #tpu.memory_space<vmem>>, %arg7: memref<4x128xf32, #tpu.memory_space<vmem>>, %arg8: memref<128x252xf32, #tpu.memory_space<vmem>>, %arg9: memref<124x128xf32, #tpu.memory_space<vmem>>, %arg10: memref<128x4xf32, #tpu.memory_space<vmem>>, %arg11: memref<2048x4xf32, #tpu.memory_space<vmem>>, %arg12: memref<1x1xf32, #tpu.memory_space<vmem>>) attributes {dimension_semantics = [#tpu.dimension_semantics<arbitrary>], iteration_bounds = array<i64: 22>, scalar_prefetch = 0 : i64, scratch_operands = 0 : i64, tpu.core_type = #tpu.core_type<tc>, window_params = [{transform_indices = @transform_0, window_bounds = array<i64: 2048, 4>}, {transform_indices = @transform_1, window_bounds = array<i64: 2048, 128>}, {transform_indices = @transform_2, window_bounds = array<i64: 2048, 128>}, {transform_indices = @transform_3, window_bounds = array<i64: 2048, 124>}, {pipeline_mode = #tpu.pipeline_mode<synchronous>, transform_indices = @transform_4, window_bounds = array<i64: 128, 256>}, {pipeline_mode = #tpu.pipeline_mode<synchronous>, transform_indices = @transform_5, window_bounds = array<i64: 128, 128>}, {pipeline_mode = #tpu.pipeline_mode<synchronous>, transform_indices = @transform_6, window_bounds = array<i64: 4, 128>}, {pipeline_mode = #tpu.pipeline_mode<synchronous>, transform_indices = @transform_7, window_bounds = array<i64: 128, 252>}, {pipeline_mode = #tpu.pipeline_mode<synchronous>, transform_indices = @transform_8, window_bounds = array<i64: 124, 128>}, {pipeline_mode = #tpu.pipeline_mode<synchronous>, transform_indices = @transform_9, window_bounds = array<i64: 128, 4>}, {transform_indices = @transform_10, window_bounds = array<i64: 2048, 4>}, {pipeline_mode = #tpu.pipeline_mode<synchronous>, transform_indices = @transform_11, window_bounds = array<i64: 1, 1>}]} {
    %get3A = arith.constant 0 : index
    %get3A_0 = arith.constant 0 : index
    %get3A_1 = vector.load %arg1[%get3A, %get3A_0] : memref<2048x4xf32, #tpu.memory_space<vmem>>, vector<2048x4xf32>
    %get3A_2 = arith.constant 0 : index
    %get3A_3 = arith.constant 0 : index
    %get3A_4 = vector.load %arg2[%get3A_2, %get3A_3] : memref<2048x128xf32, #tpu.memory_space<vmem>>, vector<2048x128xf32>
    %get3A_5 = arith.constant 0 : index
    %get3A_6 = arith.constant 0 : index
    %get3A_7 = vector.load %arg3[%get3A_5, %get3A_6] : memref<2048x128xf32, #tpu.memory_space<vmem>>, vector<2048x128xf32>
    %get3A_8 = arith.constant 0 : index
    %get3A_9 = arith.constant 0 : index
    %get3A_10 = vector.load %arg4[%get3A_8, %get3A_9] : memref<2048x124xf32, #tpu.memory_space<vmem>>, vector<2048x124xf32>
    %get3A_11 = arith.constant 0 : index
    %get3A_12 = arith.constant 0 : index
    %get3A_13 = vector.load %arg6[%get3A_11, %get3A_12] : memref<128x128xf32, #tpu.memory_space<vmem>>, vector<128x128xf32>
    %iota3A = tpu.iota {dimensions = array<i32: 1>} : vector<2048x128xi32>
    %and3A = arith.constant 31 : i32
    %and3A_14 = vector.broadcast %and3A : i32 to vector<2048x128xi32>
    %and3A_15 = arith.andi %iota3A, %and3A_14 : vector<2048x128xi32>
    %convert_element_type3A = arith.sitofp %and3A_15 : vector<2048x128xi32> to vector<2048x128xf32>
    %add3A = arith.constant 1.000000e+00 : f32
    %add3A_16 = vector.broadcast %add3A : f32 to vector<2048x128xf32>
    %add3A_17 = arith.addf %convert_element_type3A, %add3A_16 : vector<2048x128xf32>
    %mul3A = arith.constant 0.00999999977 : f32
    %mul3A_18 = vector.broadcast %mul3A : f32 to vector<2048x128xf32>
    %mul3A_19 = arith.mulf %mul3A_18, %add3A_17 : vector<2048x128xf32>
    %add3A_20 = arith.constant -3.000000e+00 : f32
    %add3A_21 = vector.broadcast %add3A_20 : f32 to vector<2048x128xf32>
    %add3A_22 = arith.addf %mul3A_19, %add3A_21 : vector<2048x128xf32>
    %get3A_23 = arith.constant 0 : index
    %get3A_24 = arith.constant 0 : index
    %get3A_25 = vector.load %arg7[%get3A_23, %get3A_24] : memref<4x128xf32, #tpu.memory_space<vmem>>, vector<4x128xf32>
    %dot_general3A = arith.constant dense<0.000000e+00> : vector<2048x128xf32>
    %dot_general3A_26 = tpu.matmul %get3A_1, %get3A_25, %dot_general3A {dimension_numbers = #tpu.dot_dimension_numbers<[1], [0], [0], [1], [0, 0, 1, 1], [], []>, precision = #tpu.contract_precision<fp32>, transpose_lhs_hint = false} : vector<2048x4xf32>, vector<4x128xf32>, vector<2048x128xf32> -> vector<2048x128xf32>
    %exp3A = math.exp %get3A_4 : vector<2048x128xf32>
    %exp3A_27 = math.exp %get3A_7 : vector<2048x128xf32>
    %get3A_28 = arith.constant 0 : index
    %get3A_29 = arith.constant 0 : index
    %get3A_30 = vector.load %arg5[%get3A_28, %get3A_29] : memref<128x256xf32, #tpu.memory_space<vmem>>, vector<128x256xf32>
    %dot_general3A_31 = arith.constant dense<0.000000e+00> : vector<2048x256xf32>
    %dot_general3A_32 = tpu.matmul %exp3A, %get3A_30, %dot_general3A_31 {dimension_numbers = #tpu.dot_dimension_numbers<[1], [0], [0], [1], [0, 0, 1, 1], [], []>, precision = #tpu.contract_precision<fp32>, transpose_lhs_hint = false} : vector<2048x128xf32>, vector<128x256xf32>, vector<2048x256xf32> -> vector<2048x256xf32>
    %get3A_33 = arith.constant 0 : index
    %get3A_34 = arith.constant 0 : index
    %get3A_35 = vector.load %arg5[%get3A_33, %get3A_34] : memref<128x256xf32, #tpu.memory_space<vmem>>, vector<128x256xf32>
    %dot_general3A_36 = arith.constant dense<0.000000e+00> : vector<2048x256xf32>
    %dot_general3A_37 = tpu.matmul %exp3A_27, %get3A_35, %dot_general3A_36 {dimension_numbers = #tpu.dot_dimension_numbers<[1], [0], [0], [1], [0, 0, 1, 1], [], []>, precision = #tpu.contract_precision<fp32>, transpose_lhs_hint = false} : vector<2048x128xf32>, vector<128x256xf32>, vector<2048x256xf32> -> vector<2048x256xf32>
    %slice3A = vector.extract_strided_slice %dot_general3A_32 {offsets = [0, 128], sizes = [2048, 128], strides = [1, 1]} : vector<2048x256xf32> to vector<2048x128xf32>
    %slice3A_38 = vector.extract_strided_slice %dot_general3A_37 {offsets = [0, 128], sizes = [2048, 128], strides = [1, 1]} : vector<2048x256xf32> to vector<2048x128xf32>
    %slice3A_39 = vector.extract_strided_slice %dot_general3A_32 {offsets = [0, 0], sizes = [2048, 128], strides = [1, 1]} : vector<2048x256xf32> to vector<2048x128xf32>
    %div3A = arith.divf %slice3A_39, %slice3A : vector<2048x128xf32>
    %mul3A_40 = arith.constant 5.680000e+00 : f32
    %mul3A_41 = vector.broadcast %mul3A_40 : f32 to vector<2048x128xf32>
    %mul3A_42 = arith.mulf %mul3A_41, %div3A : vector<2048x128xf32>
    %add3A_43 = arith.addf %mul3A_42, %add3A_22 : vector<2048x128xf32>
    %slice3A_44 = vector.extract_strided_slice %dot_general3A_37 {offsets = [0, 0], sizes = [2048, 128], strides = [1, 1]} : vector<2048x256xf32> to vector<2048x128xf32>
    %div3A_45 = arith.divf %slice3A_44, %slice3A_38 : vector<2048x128xf32>
    %mul3A_46 = arith.constant 5.680000e+00 : f32
    %mul3A_47 = vector.broadcast %mul3A_46 : f32 to vector<2048x128xf32>
    %mul3A_48 = arith.mulf %mul3A_47, %div3A_45 : vector<2048x128xf32>
    %add3A_49 = arith.addf %mul3A_48, %add3A_22 : vector<2048x128xf32>
    %gt3A = arith.constant -3.000000e+00 : f32
    %gt3A_50 = vector.broadcast %gt3A : f32 to vector<2048x128xf32>
    %gt3A_51 = arith.cmpf ogt, %dot_general3A_26, %gt3A_50 : vector<2048x128xf32>
    %lt3A = arith.constant 3.000000e+00 : f32
    %lt3A_52 = vector.broadcast %lt3A : f32 to vector<2048x128xf32>
    %lt3A_53 = arith.cmpf olt, %dot_general3A_26, %lt3A_52 : vector<2048x128xf32>
    %and3A_54 = arith.andi %gt3A_51, %lt3A_53 : vector<2048x128xi1>
    %jit3A = arith.constant -3.000000e+00 : f32
    %jit3A_55 = arith.constant 3.000000e+00 : f32
    %max3A = vector.broadcast %jit3A : f32 to vector<2048x128xf32>
    %max3A_56 = arith.maximumf %max3A, %dot_general3A_26 : vector<2048x128xf32>
    %min3A = vector.broadcast %jit3A_55 : f32 to vector<2048x128xf32>
    %min3A_57 = arith.minimumf %min3A, %max3A_56 : vector<2048x128xf32>
    %lt3A_58 = arith.cmpf olt, %add3A_43, %min3A_57 : vector<2048x128xf32>
    %convert_element_type3A_59 = arith.extui %lt3A_58 : vector<2048x128xi1> to vector<2048x128xi32>
    %convert_element_type3A_60 = arith.sitofp %convert_element_type3A_59 : vector<2048x128xi32> to vector<2048x128xf32>
    %get3A_61 = arith.constant 0 : index
    %get3A_62 = arith.constant 0 : index
    %get3A_63 = vector.load %arg8[%get3A_61, %get3A_62] : memref<128x252xf32, #tpu.memory_space<vmem>>, vector<128x252xf32>
    %dot_general3A_64 = arith.constant dense<0.000000e+00> : vector<2048x252xf32>
    %dot_general3A_65 = tpu.matmul %convert_element_type3A_60, %get3A_63, %dot_general3A_64 {dimension_numbers = #tpu.dot_dimension_numbers<[1], [0], [0], [1], [0, 0, 1, 1], [], []>, transpose_lhs_hint = false} : vector<2048x128xf32>, vector<128x252xf32>, vector<2048x252xf32> -> vector<2048x252xf32>
    %slice3A_66 = vector.extract_strided_slice %dot_general3A_65 {offsets = [0, 0], sizes = [2048, 128], strides = [1, 1]} : vector<2048x252xf32> to vector<2048x128xf32>
    %slice3A_67 = vector.extract_strided_slice %dot_general3A_65 {offsets = [0, 128], sizes = [2048, 124], strides = [1, 1]} : vector<2048x252xf32> to vector<2048x124xf32>
    %sub3A = arith.constant 1.000000e+00 : f32
    %sub3A_68 = vector.broadcast %sub3A : f32 to vector<2048x128xf32>
    %sub3A_69 = arith.subf %slice3A_66, %sub3A_68 : vector<2048x128xf32>
    %eq3A = arith.cmpf oeq, %convert_element_type3A, %sub3A_69 : vector<2048x128xf32>
    %convert_element_type3A_70 = arith.extui %eq3A : vector<2048x128xi1> to vector<2048x128xi32>
    %convert_element_type3A_71 = arith.sitofp %convert_element_type3A_70 : vector<2048x128xi32> to vector<2048x128xf32>
    %eq3A_72 = arith.cmpf oeq, %convert_element_type3A, %slice3A_66 : vector<2048x128xf32>
    %convert_element_type3A_73 = arith.extui %eq3A_72 : vector<2048x128xi1> to vector<2048x128xi32>
    %convert_element_type3A_74 = arith.sitofp %convert_element_type3A_73 : vector<2048x128xi32> to vector<2048x128xf32>
    %eq3A_75 = arith.constant 0.000000e+00 : f32
    %eq3A_76 = vector.broadcast %eq3A_75 : f32 to vector<2048x128xf32>
    %eq3A_77 = arith.cmpf oeq, %slice3A_66, %eq3A_76 : vector<2048x128xf32>
    %eq3A_78 = arith.constant 3.100000e+01 : f32
    %eq3A_79 = vector.broadcast %eq3A_78 : f32 to vector<2048x128xf32>
    %eq3A_80 = arith.cmpf oeq, %slice3A_66, %eq3A_79 : vector<2048x128xf32>
    %mul3A_81 = arith.mulf %add3A_43, %convert_element_type3A_71 : vector<2048x128xf32>
    %dot_general3A_82 = arith.constant dense<0.000000e+00> : vector<2048x128xf32>
    %dot_general3A_83 = tpu.matmul %mul3A_81, %get3A_13, %dot_general3A_82 {dimension_numbers = #tpu.dot_dimension_numbers<[1], [0], [0], [1], [0, 0, 1, 1], [], []>, precision = #tpu.contract_precision<fp32>, transpose_lhs_hint = false} : vector<2048x128xf32>, vector<128x128xf32>, vector<2048x128xf32> -> vector<2048x128xf32>
    %mul3A_84 = arith.mulf %add3A_49, %convert_element_type3A_71 : vector<2048x128xf32>
    %dot_general3A_85 = arith.constant dense<0.000000e+00> : vector<2048x128xf32>
    %dot_general3A_86 = tpu.matmul %mul3A_84, %get3A_13, %dot_general3A_85 {dimension_numbers = #tpu.dot_dimension_numbers<[1], [0], [0], [1], [0, 0, 1, 1], [], []>, precision = #tpu.contract_precision<fp32>, transpose_lhs_hint = false} : vector<2048x128xf32>, vector<128x128xf32>, vector<2048x128xf32> -> vector<2048x128xf32>
    %jit3A_87 = arith.constant -3.000000e+00 : f32
    %broadcast_in_dim3A = vector.broadcast %jit3A_87 : f32 to vector<2048x128xf32>
    %select_n3A = arith.select %eq3A_77, %broadcast_in_dim3A, %dot_general3A_83 : vector<2048x128xi1>, vector<2048x128xf32>
    %jit3A_88 = arith.constant -3.000000e+00 : f32
    %broadcast_in_dim3A_89 = vector.broadcast %jit3A_88 : f32 to vector<2048x128xf32>
    %select_n3A_90 = arith.select %eq3A_77, %broadcast_in_dim3A_89, %dot_general3A_86 : vector<2048x128xi1>, vector<2048x128xf32>
    %mul3A_91 = arith.mulf %exp3A, %convert_element_type3A_74 : vector<2048x128xf32>
    %dot_general3A_92 = arith.constant dense<0.000000e+00> : vector<2048x128xf32>
    %dot_general3A_93 = tpu.matmul %mul3A_91, %get3A_13, %dot_general3A_92 {dimension_numbers = #tpu.dot_dimension_numbers<[1], [0], [0], [1], [0, 0, 1, 1], [], []>, transpose_lhs_hint = false} : vector<2048x128xf32>, vector<128x128xf32>, vector<2048x128xf32> -> vector<2048x128xf32>
    %mul3A_94 = arith.mulf %exp3A_27, %convert_element_type3A_74 : vector<2048x128xf32>
    %dot_general3A_95 = arith.constant dense<0.000000e+00> : vector<2048x128xf32>
    %dot_general3A_96 = tpu.matmul %mul3A_94, %get3A_13, %dot_general3A_95 {dimension_numbers = #tpu.dot_dimension_numbers<[1], [0], [0], [1], [0, 0, 1, 1], [], []>, transpose_lhs_hint = false} : vector<2048x128xf32>, vector<128x128xf32>, vector<2048x128xf32> -> vector<2048x128xf32>
    %div3A_97 = arith.divf %dot_general3A_93, %slice3A : vector<2048x128xf32>
    %mul3A_98 = arith.constant 5.680000e+00 : f32
    %mul3A_99 = vector.broadcast %mul3A_98 : f32 to vector<2048x128xf32>
    %mul3A_100 = arith.mulf %mul3A_99, %div3A_97 : vector<2048x128xf32>
    %add3A_101 = arith.constant 0.00999999977 : f32
    %add3A_102 = vector.broadcast %add3A_101 : f32 to vector<2048x128xf32>
    %add3A_103 = arith.addf %mul3A_100, %add3A_102 : vector<2048x128xf32>
    %sub3A_104 = arith.constant 3.000000e+00 : f32
    %sub3A_105 = vector.broadcast %sub3A_104 : f32 to vector<2048x128xf32>
    %sub3A_106 = arith.subf %sub3A_105, %select_n3A_90 : vector<2048x128xf32>
    %div3A_107 = arith.divf %dot_general3A_96, %slice3A_38 : vector<2048x128xf32>
    %mul3A_108 = arith.constant 5.680000e+00 : f32
    %mul3A_109 = vector.broadcast %mul3A_108 : f32 to vector<2048x128xf32>
    %mul3A_110 = arith.mulf %mul3A_109, %div3A_107 : vector<2048x128xf32>
    %add3A_111 = arith.constant 0.00999999977 : f32
    %add3A_112 = vector.broadcast %add3A_111 : f32 to vector<2048x128xf32>
    %add3A_113 = arith.addf %mul3A_110, %add3A_112 : vector<2048x128xf32>
    %select_n3A_114 = arith.select %eq3A_80, %sub3A_106, %add3A_113 : vector<2048x128xi1>, vector<2048x128xf32>
    %iota3A_115 = tpu.iota {dimensions = array<i32: 1>} : vector<2048x124xi32>
    %jit3A_116 = arith.constant 31 : i32
    %div3A_117 = vector.broadcast %jit3A_116 : i32 to vector<2048x124xi32>
    %div3A_118 = arith.divsi %iota3A_115, %div3A_117 : vector<2048x124xi32>
    %sign3A = arith.constant 0 : i32
    %sign3A_119 = vector.broadcast %sign3A : i32 to vector<2048x124xi32>
    %sign3A_120 = arith.cmpi sgt, %iota3A_115, %sign3A_119 : vector<2048x124xi32>
    %sign3A_121 = arith.extui %sign3A_120 : vector<2048x124xi1> to vector<2048x124xi32>
    %sign3A_122 = arith.constant 0 : i32
    %sign3A_123 = vector.broadcast %sign3A_122 : i32 to vector<2048x124xi32>
    %sign3A_124 = arith.cmpi slt, %iota3A_115, %sign3A_123 : vector<2048x124xi32>
    %sign3A_125 = arith.extui %sign3A_124 : vector<2048x124xi1> to vector<2048x124xi32>
    %sign3A_126 = arith.subi %sign3A_121, %sign3A_125 : vector<2048x124xi32>
    %sign3A_127 = arith.constant 0 : i32
    %sign3A_128 = arith.cmpi sgt, %jit3A_116, %sign3A_127 : i32
    %sign3A_129 = arith.extui %sign3A_128 : i1 to i32
    %sign3A_130 = arith.constant 0 : i32
    %sign3A_131 = arith.cmpi slt, %jit3A_116, %sign3A_130 : i32
    %sign3A_132 = arith.extui %sign3A_131 : i1 to i32
    %sign3A_133 = arith.subi %sign3A_129, %sign3A_132 : i32
    %ne3A = vector.broadcast %sign3A_133 : i32 to vector<2048x124xi32>
    %ne3A_134 = arith.cmpi ne, %sign3A_126, %ne3A : vector<2048x124xi32>
    %rem3A = vector.broadcast %jit3A_116 : i32 to vector<2048x124xi32>
    %rem3A_135 = arith.remsi %iota3A_115, %rem3A : vector<2048x124xi32>
    %ne3A_136 = arith.constant 0 : i32
    %ne3A_137 = vector.broadcast %ne3A_136 : i32 to vector<2048x124xi32>
    %ne3A_138 = arith.cmpi ne, %rem3A_135, %ne3A_137 : vector<2048x124xi32>
    %and3A_139 = arith.andi %ne3A_134, %ne3A_138 : vector<2048x124xi1>
    %sub3A_140 = arith.constant 1 : i32
    %sub3A_141 = vector.broadcast %sub3A_140 : i32 to vector<2048x124xi32>
    %sub3A_142 = arith.subi %div3A_118, %sub3A_141 : vector<2048x124xi32>
    %select_n3A_143 = arith.select %and3A_139, %sub3A_142, %div3A_118 : vector<2048x124xi1>, vector<2048x124xi32>
    %mul3A_144 = arith.constant 31 : i32
    %mul3A_145 = vector.broadcast %mul3A_144 : i32 to vector<2048x124xi32>
    %mul3A_146 = arith.muli %mul3A_145, %select_n3A_143 : vector<2048x124xi32>
    %sub3A_147 = arith.subi %iota3A_115, %mul3A_146 : vector<2048x124xi32>
    %convert_element_type3A_148 = arith.sitofp %sub3A_147 : vector<2048x124xi32> to vector<2048x124xf32>
    %sub3A_149 = arith.constant 1.000000e+00 : f32
    %sub3A_150 = vector.broadcast %sub3A_149 : f32 to vector<2048x124xf32>
    %sub3A_151 = arith.subf %slice3A_67, %sub3A_150 : vector<2048x124xf32>
    %eq3A_152 = arith.cmpf oeq, %convert_element_type3A_148, %sub3A_151 : vector<2048x124xf32>
    %convert_element_type3A_153 = arith.extui %eq3A_152 : vector<2048x124xi1> to vector<2048x124xi32>
    %convert_element_type3A_154 = arith.sitofp %convert_element_type3A_153 : vector<2048x124xi32> to vector<2048x124xf32>
    %eq3A_155 = arith.cmpf oeq, %convert_element_type3A_148, %slice3A_67 : vector<2048x124xf32>
    %convert_element_type3A_156 = arith.extui %eq3A_155 : vector<2048x124xi1> to vector<2048x124xi32>
    %convert_element_type3A_157 = arith.sitofp %convert_element_type3A_156 : vector<2048x124xi32> to vector<2048x124xf32>
    %mul3A_158 = arith.mulf %get3A_10, %convert_element_type3A_154 : vector<2048x124xf32>
    %get3A_159 = arith.constant 0 : index
    %get3A_160 = arith.constant 0 : index
    %get3A_161 = vector.load %arg9[%get3A_159, %get3A_160] : memref<124x128xf32, #tpu.memory_space<vmem>>, vector<124x128xf32>
    %dot_general3A_162 = arith.constant dense<0.000000e+00> : vector<2048x128xf32>
    %dot_general3A_163 = tpu.matmul %mul3A_158, %get3A_161, %dot_general3A_162 {dimension_numbers = #tpu.dot_dimension_numbers<[1], [0], [0], [1], [0, 0, 1, 1], [], []>, transpose_lhs_hint = false} : vector<2048x124xf32>, vector<124x128xf32>, vector<2048x128xf32> -> vector<2048x128xf32>
    %mul3A_164 = arith.mulf %get3A_10, %convert_element_type3A_157 : vector<2048x124xf32>
    %get3A_165 = arith.constant 0 : index
    %get3A_166 = arith.constant 0 : index
    %get3A_167 = vector.load %arg9[%get3A_165, %get3A_166] : memref<124x128xf32, #tpu.memory_space<vmem>>, vector<124x128xf32>
    %dot_general3A_168 = arith.constant dense<0.000000e+00> : vector<2048x128xf32>
    %dot_general3A_169 = tpu.matmul %mul3A_164, %get3A_167, %dot_general3A_168 {dimension_numbers = #tpu.dot_dimension_numbers<[1], [0], [0], [1], [0, 0, 1, 1], [], []>, transpose_lhs_hint = false} : vector<2048x124xf32>, vector<124x128xf32>, vector<2048x128xf32> -> vector<2048x128xf32>
    %max3A_170 = arith.constant 0.000000e+00 : f32
    %max3A_171 = vector.broadcast %max3A_170 : f32 to vector<2048x128xf32>
    %max3A_172 = arith.maximumf %dot_general3A_163, %max3A_171 : vector<2048x128xf32>
    %abs3A = math.absf %dot_general3A_163 : vector<2048x128xf32>
    %neg3A = arith.constant 0.000000e+00 : f32
    %neg3A_173 = vector.broadcast %neg3A : f32 to vector<2048x128xf32>
    %neg3A_174 = arith.subf %neg3A_173, %abs3A : vector<2048x128xf32>
    %exp3A_175 = math.exp %neg3A_174 : vector<2048x128xf32>
    %add3A_176 = arith.constant 1.000000e+00 : f32
    %add3A_177 = vector.broadcast %add3A_176 : f32 to vector<2048x128xf32>
    %add3A_178 = arith.addf %add3A_177, %exp3A_175 : vector<2048x128xf32>
    %log3A = math.log %add3A_178 : vector<2048x128xf32>
    %add3A_179 = arith.addf %max3A_172, %log3A : vector<2048x128xf32>
    %add3A_180 = arith.constant 0.00999999977 : f32
    %add3A_181 = vector.broadcast %add3A_180 : f32 to vector<2048x128xf32>
    %add3A_182 = arith.addf %add3A_179, %add3A_181 : vector<2048x128xf32>
    %jit3A_183 = arith.constant 1.000000e+00 : f32
    %broadcast_in_dim3A_184 = vector.broadcast %jit3A_183 : f32 to vector<2048x128xf32>
    %select_n3A_185 = arith.select %eq3A_77, %broadcast_in_dim3A_184, %add3A_182 : vector<2048x128xi1>, vector<2048x128xf32>
    %max3A_186 = arith.constant 0.000000e+00 : f32
    %max3A_187 = vector.broadcast %max3A_186 : f32 to vector<2048x128xf32>
    %max3A_188 = arith.maximumf %dot_general3A_169, %max3A_187 : vector<2048x128xf32>
    %abs3A_189 = math.absf %dot_general3A_169 : vector<2048x128xf32>
    %neg3A_190 = arith.constant 0.000000e+00 : f32
    %neg3A_191 = vector.broadcast %neg3A_190 : f32 to vector<2048x128xf32>
    %neg3A_192 = arith.subf %neg3A_191, %abs3A_189 : vector<2048x128xf32>
    %exp3A_193 = math.exp %neg3A_192 : vector<2048x128xf32>
    %add3A_194 = arith.constant 1.000000e+00 : f32
    %add3A_195 = vector.broadcast %add3A_194 : f32 to vector<2048x128xf32>
    %add3A_196 = arith.addf %add3A_195, %exp3A_193 : vector<2048x128xf32>
    %log3A_197 = math.log %add3A_196 : vector<2048x128xf32>
    %add3A_198 = arith.addf %max3A_188, %log3A_197 : vector<2048x128xf32>
    %add3A_199 = arith.constant 0.00999999977 : f32
    %add3A_200 = vector.broadcast %add3A_199 : f32 to vector<2048x128xf32>
    %add3A_201 = arith.addf %add3A_198, %add3A_200 : vector<2048x128xf32>
    %jit3A_202 = arith.constant 1.000000e+00 : f32
    %broadcast_in_dim3A_203 = vector.broadcast %jit3A_202 : f32 to vector<2048x128xf32>
    %select_n3A_204 = arith.select %eq3A_80, %broadcast_in_dim3A_203, %add3A_201 : vector<2048x128xi1>, vector<2048x128xf32>
    %div3A_205 = arith.constant 1.000000e+00 : f32
    %div3A_206 = vector.broadcast %div3A_205 : f32 to vector<2048x128xf32>
    %div3A_207 = arith.divf %div3A_206, %add3A_103 : vector<2048x128xf32>
    %mul3A_208 = arith.mulf %select_n3A_114, %div3A_207 : vector<2048x128xf32>
    %sub3A_209 = arith.subf %min3A_57, %select_n3A : vector<2048x128xf32>
    %mul3A_210 = arith.mulf %sub3A_209, %div3A_207 : vector<2048x128xf32>
    %jit3A_211 = arith.constant 0.000000e+00 : f32
    %jit3A_212 = arith.constant 1.000000e+00 : f32
    %max3A_213 = vector.broadcast %jit3A_211 : f32 to vector<2048x128xf32>
    %max3A_214 = arith.maximumf %max3A_213, %mul3A_210 : vector<2048x128xf32>
    %min3A_215 = vector.broadcast %jit3A_212 : f32 to vector<2048x128xf32>
    %min3A_216 = arith.minimumf %min3A_215, %max3A_214 : vector<2048x128xf32>
    %mul3A_217 = arith.mulf %min3A_216, %min3A_216 : vector<2048x128xf32>
    %sub3A_218 = arith.constant 1.000000e+00 : f32
    %sub3A_219 = vector.broadcast %sub3A_218 : f32 to vector<2048x128xf32>
    %sub3A_220 = arith.subf %sub3A_219, %min3A_216 : vector<2048x128xf32>
    %mul3A_221 = arith.mulf %min3A_216, %sub3A_220 : vector<2048x128xf32>
    %mul3A_222 = arith.mulf %sub3A_220, %sub3A_220 : vector<2048x128xf32>
    %add3A_223 = arith.addf %select_n3A_204, %select_n3A_185 : vector<2048x128xf32>
    %mul3A_224 = arith.constant 2.000000e+00 : f32
    %mul3A_225 = vector.broadcast %mul3A_224 : f32 to vector<2048x128xf32>
    %mul3A_226 = arith.mulf %mul3A_225, %mul3A_208 : vector<2048x128xf32>
    %sub3A_227 = arith.subf %add3A_223, %mul3A_226 : vector<2048x128xf32>
    %mul3A_228 = arith.mulf %sub3A_227, %mul3A_221 : vector<2048x128xf32>
    %add3A_229 = arith.addf %mul3A_208, %mul3A_228 : vector<2048x128xf32>
    %div3A_230 = arith.constant 1.000000e+00 : f32
    %div3A_231 = vector.broadcast %div3A_230 : f32 to vector<2048x128xf32>
    %div3A_232 = arith.divf %div3A_231, %add3A_229 : vector<2048x128xf32>
    %mul3A_233 = arith.mulf %mul3A_208, %mul3A_217 : vector<2048x128xf32>
    %mul3A_234 = arith.mulf %select_n3A_185, %mul3A_221 : vector<2048x128xf32>
    %add3A_235 = arith.addf %mul3A_233, %mul3A_234 : vector<2048x128xf32>
    %mul3A_236 = arith.mulf %select_n3A_114, %add3A_235 : vector<2048x128xf32>
    %mul3A_237 = arith.mulf %mul3A_236, %div3A_232 : vector<2048x128xf32>
    %add3A_238 = arith.addf %select_n3A_90, %mul3A_237 : vector<2048x128xf32>
    %mul3A_239 = arith.mulf %mul3A_208, %mul3A_208 : vector<2048x128xf32>
    %mul3A_240 = arith.mulf %select_n3A_204, %mul3A_217 : vector<2048x128xf32>
    %mul3A_241 = arith.constant 2.000000e+00 : f32
    %mul3A_242 = vector.broadcast %mul3A_241 : f32 to vector<2048x128xf32>
    %mul3A_243 = arith.mulf %mul3A_242, %mul3A_208 : vector<2048x128xf32>
    %mul3A_244 = arith.mulf %mul3A_243, %mul3A_221 : vector<2048x128xf32>
    %add3A_245 = arith.addf %mul3A_240, %mul3A_244 : vector<2048x128xf32>
    %mul3A_246 = arith.mulf %select_n3A_185, %mul3A_222 : vector<2048x128xf32>
    %add3A_247 = arith.addf %add3A_245, %mul3A_246 : vector<2048x128xf32>
    %mul3A_248 = arith.mulf %mul3A_239, %add3A_247 : vector<2048x128xf32>
    %mul3A_249 = arith.mulf %div3A_232, %div3A_232 : vector<2048x128xf32>
    %mul3A_250 = arith.mulf %mul3A_248, %mul3A_249 : vector<2048x128xf32>
    %select_n3A_251 = arith.select %and3A_54, %add3A_238, %dot_general3A_26 : vector<2048x128xi1>, vector<2048x128xf32>
    %jit3A_252 = arith.constant 1.000000e+00 : f32
    %broadcast_in_dim3A_253 = vector.broadcast %jit3A_252 : f32 to vector<2048x128xf32>
    %select_n3A_254 = arith.select %and3A_54, %mul3A_250, %broadcast_in_dim3A_253 : vector<2048x128xi1>, vector<2048x128xf32>
    %eq3A_255 = arith.constant 0.000000e+00 : f32
    %eq3A_256 = vector.broadcast %eq3A_255 : f32 to vector<2048x128xf32>
    %eq3A_257 = arith.cmpf oeq, %convert_element_type3A, %eq3A_256 : vector<2048x128xf32>
    %convert_element_type3A_258 = arith.extui %eq3A_257 : vector<2048x128xi1> to vector<2048x128xi32>
    %convert_element_type3A_259 = arith.sitofp %convert_element_type3A_258 : vector<2048x128xi32> to vector<2048x128xf32>
    %mul3A_260 = arith.mulf %select_n3A_251, %convert_element_type3A_259 : vector<2048x128xf32>
    %get3A_261 = arith.constant 0 : index
    %get3A_262 = arith.constant 0 : index
    %get3A_263 = vector.load %arg10[%get3A_261, %get3A_262] : memref<128x4xf32, #tpu.memory_space<vmem>>, vector<128x4xf32>
    %dot_general3A_264 = arith.constant dense<0.000000e+00> : vector<2048x4xf32>
    %dot_general3A_265 = tpu.matmul %mul3A_260, %get3A_263, %dot_general3A_264 {dimension_numbers = #tpu.dot_dimension_numbers<[1], [0], [0], [1], [0, 0, 1, 1], [], []>, precision = #tpu.contract_precision<fp32>, transpose_lhs_hint = false} : vector<2048x128xf32>, vector<128x4xf32>, vector<2048x4xf32> -> vector<2048x4xf32>
    %swap3A = arith.constant 0 : index
    %swap3A_266 = arith.constant 0 : index
    %swap3A_267 = vector.load %arg11[%swap3A, %swap3A_266] : memref<2048x4xf32, #tpu.memory_space<vmem>>, vector<2048x4xf32>
    tpu.vector_store %arg11[%swap3A, %swap3A_266], %dot_general3A_265 {strides = array<i32>} : memref<2048x4xf32, #tpu.memory_space<vmem>>, vector<2048x4xf32>,
    %abs3A_268 = math.absf %select_n3A_254 : vector<2048x128xf32>
    %log3A_269 = math.log %abs3A_268 : vector<2048x128xf32>
    %reduce_sum3A = arith.constant dense<0.000000e+00> : vector<128xf32>
    %reduce_sum3A_270 = vector.multi_reduction <add>, %log3A_269, %reduce_sum3A [0] : vector<2048x128xf32> to vector<128xf32>
    %broadcast_in_dim3A_271 = vector.shape_cast %reduce_sum3A_270 : vector<128xf32> to vector<1x128xf32>
    %reduce_sum3A_272 = arith.constant dense<0.000000e+00> : vector<1xf32>
    %reduce_sum3A_273 = vector.multi_reduction <add>, %broadcast_in_dim3A_271, %reduce_sum3A_272 [1] : vector<1x128xf32> to vector<1xf32>
    %broadcast_in_dim3A_274 = vector.shape_cast %reduce_sum3A_273 : vector<1xf32> to vector<1x1xf32>
    %mul3A_275 = arith.constant 3.125000e-02 : f32
    %mul3A_276 = vector.broadcast %mul3A_275 : f32 to vector<1x1xf32>
    %mul3A_277 = arith.mulf %broadcast_in_dim3A_274, %mul3A_276 : vector<1x1xf32>
    %eq3A_278 = arith.constant 0 : i32
    %eq3A_279 = arith.cmpi eq, %arg0, %eq3A_278 : i32
    %convert_element_type3A_280 = arith.extui %eq3A_279 : i1 to i32
    %cond3A = arith.constant 0 : i32
    %cond3A_281 = arith.cmpi ne, %convert_element_type3A_280, %cond3A : i32
    scf.if %cond3A_281 {
      %broadcast_in_dim3A_289 = arith.constant 0.000000e+00 : f32
      %broadcast_in_dim3A_290 = vector.broadcast %broadcast_in_dim3A_289 : f32 to vector<1x1xf32>
      %swap3A_291 = arith.constant 0 : index
      %swap3A_292 = arith.constant 0 : index
      %swap3A_293 = vector.load %arg12[%swap3A_291, %swap3A_292] : memref<1x1xf32, #tpu.memory_space<vmem>>, vector<1x1xf32>
      tpu.vector_store %arg12[%swap3A_291, %swap3A_292], %broadcast_in_dim3A_290 {strides = array<i32>} : memref<1x1xf32, #tpu.memory_space<vmem>>, vector<1x1xf32>,
    } else {
    }
    %get3A_282 = arith.constant 0 : index
    %get3A_283 = arith.constant 0 : index
    %get3A_284 = vector.load %arg12[%get3A_282, %get3A_283] : memref<1x1xf32, #tpu.memory_space<vmem>>, vector<1x1xf32>
    %add3A_285 = arith.addf %get3A_284, %mul3A_277 : vector<1x1xf32>
    %swap3A_286 = arith.constant 0 : index
    %swap3A_287 = arith.constant 0 : index
    %swap3A_288 = vector.load %arg12[%swap3A_286, %swap3A_287] : memref<1x1xf32, #tpu.memory_space<vmem>>, vector<1x1xf32>
    tpu.vector_store %arg12[%swap3A_286, %swap3A_287], %add3A_285 {strides = array<i32>} : memref<1x1xf32, #tpu.memory_space<vmem>>, vector<1x1xf32>,
    return
  }
  func.func @transform_0(%arg0: i32) -> (i32, i32) {
    %c0_i32 = arith.constant 0 : i32
    %c0_i32_0 = arith.constant 0 : i32
    return %arg0, %c0_i32 : i32, i32
  }
  func.func @transform_1(%arg0: i32) -> (i32, i32) {
    %c0_i32 = arith.constant 0 : i32
    %c0_i32_0 = arith.constant 0 : i32
    return %arg0, %c0_i32 : i32, i32
  }
  func.func @transform_2(%arg0: i32) -> (i32, i32) {
    %c0_i32 = arith.constant 0 : i32
    %c0_i32_0 = arith.constant 0 : i32
    return %arg0, %c0_i32 : i32, i32
  }
  func.func @transform_3(%arg0: i32) -> (i32, i32) {
    %c0_i32 = arith.constant 0 : i32
    %c0_i32_0 = arith.constant 0 : i32
    return %arg0, %c0_i32 : i32, i32
  }
  func.func @transform_4(%arg0: i32) -> (i32, i32) {
    %c0_i32 = arith.constant 0 : i32
    %c0_i32_0 = arith.constant 0 : i32
    %c0_i32_1 = arith.constant 0 : i32
    return %c0_i32, %c0_i32_0 : i32, i32
  }
  func.func @transform_5(%arg0: i32) -> (i32, i32) {
    %c0_i32 = arith.constant 0 : i32
    %c0_i32_0 = arith.constant 0 : i32
    %c0_i32_1 = arith.constant 0 : i32
    return %c0_i32, %c0_i32_0 : i32, i32
  }
  func.func @transform_6(%arg0: i32) -> (i32, i32) {
    %c0_i32 = arith.constant 0 : i32
    %c0_i32_0 = arith.constant 0 : i32
    %c0_i32_1 = arith.constant 0 : i32
    return %c0_i32, %c0_i32_0 : i32, i32
  }
  func.func @transform_7(%arg0: i32) -> (i32, i32) {
    %c0_i32 = arith.constant 0 : i32
    %c0_i32_0 = arith.constant 0 : i32
    %c0_i32_1 = arith.constant 0 : i32
    return %c0_i32, %c0_i32_0 : i32, i32
  }
  func.func @transform_8(%arg0: i32) -> (i32, i32) {
    %c0_i32 = arith.constant 0 : i32
    %c0_i32_0 = arith.constant 0 : i32
    %c0_i32_1 = arith.constant 0 : i32
    return %c0_i32, %c0_i32_0 : i32, i32
  }
  func.func @transform_9(%arg0: i32) -> (i32, i32) {
    %c0_i32 = arith.constant 0 : i32
    %c0_i32_0 = arith.constant 0 : i32
    %c0_i32_1 = arith.constant 0 : i32
    return %c0_i32, %c0_i32_0 : i32, i32
  }
  func.func @transform_10(%arg0: i32) -> (i32, i32) {
    %c0_i32 = arith.constant 0 : i32
    %c0_i32_0 = arith.constant 0 : i32
    return %arg0, %c0_i32 : i32, i32
  }
  func.func @transform_11(%arg0: i32) -> (i32, i32) {
    %c0_i32 = arith.constant 0 : i32
    %c0_i32_0 = arith.constant 0 : i32
    %c0_i32_1 = arith.constant 0 : i32
    return %c0_i32, %c0_i32_0 : i32, i32
  }
}

</mosaic_0001>

<sc_bundles>
// kernel: kernel.4.cloned.1.call-start
scs
__scs_entry_jumppad:
0x0: {  	(pc) =	sbr.rel $0x88, $3  }
0x1: {  	(tag) =	ssettag $0x0;
	lr =	simm.s32 $0x1  }
0x2: {  	[smem:$0x3F9D] =	sst lr;
	_ =	strace $0xD0000000  }
0x3: {  	_ = 	snop  }
0x4: {  	_ = 	snop  }
0x5: {  	_ = 	snop  }
0x6: {  	_ = 	snop  }
0x7: {  	_ = 	snop  }
__scs_overlays_trampoline_lowered:
0x8: {  	[smem:$0x3FAC] =	sst s0  }
0x9: {  	[smem:$0x3FAD] =	sst s1  }
0xa: {  	[smem:$0x3FAE] =	sst s2  }
0xb: {  	[smem:$0x3FAF] =	sst s3  }
0xc: {  	[smem:$0x3FB0] =	sst s4  }
0xd: {  	[smem:$0x3FB1] =	sst s5  }
0xe: {  	[smem:$0x3FB2] =	sst s6  }
0xf: {  	[smem:$0x3FB3] =	sst s7  }
0x10: {  	[smem:$0x3FB4] =	sst s8  }
0x11: {  	[smem:$0x3FB5] =	sst s9;
	s0 =	simm.s32 @!p0 $0x0  }
0x12: {  	s1 =	sld [smem:$0x3F9B];
	s0 =	simm.s32 @p0 $0x1  }
0x13: {  	[smem:$0x3FB6] =	sst s0;
	s0 =	simm.s32 @!p1 $0x0  }
0x14: {  	s2 =	sld [smem:$0x3F9A];
	s0 =	simm.s32 @p1 $0x1  }
0x15: {  	[smem:$0x3FB7] =	sst s0;
	s0 =	simm.s32 @!p2 $0x0  }
0x16: {  	s3 =	sld [smem:$0x3FDB];
	s0 =	simm.s32 @p2 $0x1  }
0x17: {  	s4 =	simm.s32 $0x1BF5;
	[smem:$0x3FB9] =	sst s0  }
0x18: {  	s0 =	sld [smem:$0x3F9C];
	_ =	swait.ge [sflag:s4], $0x0  }
0x19: {  	s7 =	sld [smem:$0x3F9D]  }
0x1a: {  	s8 =	sadd.s32 $0xFFFFE003, lr  }
0x1b: {  	s9 =	sadd.s32 $0xFFFFFEF7, lr;
	s5 =	simm.s32 $0xFFFFFFFF;
	p2 =	slt.u32 s8, $0xFFFFF086  }
0x1c: {  	p1 =	slt.u32 s9, $0xF7A;
	s5 =	simm.s32 @!p2 $0x0  }
0x1d: {  	s5 =	simm.s32 @p1 $0x1;
	p0 =	seq.s32 s7, s2  }
0x1e: {  	s7 =	smul.u32 @!p0 $0xF7A, s2;
	p2 =	seq.s32 @!p0 s5, $0x0  }
0x1f: {  	s9 =	smul.u32 $0xF7A, s1;
	s8 =	simm.s32 @!p0 $0x1BF5;
	p2 =	por !p2, p0  }
0x20: {  	[sflag:s8] =	ssyncset.s32 @!p0 $0xFFFFF086;
	s6 =	sadd.s32 @!p0 s3, s7;
	s7 =	simm.s32 @!p0 $0x108  }
0x21: {  	s3 =	sadd.s32 s3, s9;
	s6 =	sadd.s32 @!p0 $0x88, s6;
	s7 =	simm.s32 @p2 $0x1082  }
0x22: {  	[simem:s7], [sflag:s8] =	dma.local @!p0 [hbm:s6], $0xF7A  }
0x23: {  	s9 =	sor.u32 $0xD0000000, s2;
	s6 =	simm.s32 $0x108;
	_ =	swait.ge @!p0 [sflag:s8], $0x0  }
0x24: {  	s3 =	sadd.s32 $0x88, s3;
	s6 =	simm.s32 @!p1 $0x1082;
	[sflag:s4] =	ssyncset.s32 $0xFFFFF086  }
0x25: {  	[simem:s6], [sflag:s4] =	dma.local [hbm:s3], $0xF7A  }
0x26: {  	[smem:$0x3F9D] =	sst s1;
	(tag) =	ssettag s2;
	_ =	strace s9  }
0x27: {  	s1 =	sld [smem:$0x3FAD]  }
0x28: {  	s2 =	sld [smem:$0x3FAE]  }
0x29: {  	s4 =	sld [smem:$0x3FB0]  }
0x2a: {  	p0 =	seq.s32 s5, $0x0;
	s5 =	sld [smem:$0x3FB1]  }
0x2b: {  	s6 =	sld [smem:$0x3FB2]  }
0x2c: {  	s7 =	sld [smem:$0x3FB3]  }
0x2d: {  	s3 =	simm.s32 $0x108;
	s8 =	sld [smem:$0x3FB4]  }
0x2e: {  	s3 =	simm.s32 @!p0 $0x1082;
	s9 =	sld [smem:$0x3FB5]  }
0x2f: {  	lr =	sadd.s32 s0, s3;
	s0 =	sld [smem:$0x3FAC]  }
0x30: {  	s3 =	sld [smem:$0x3FAF]  }
0x31: {  	[smem:$0x3FB8] =	sst s10  }
0x32: {  	s10 =	sld [smem:$0x3FB6];
	_ =	sdelay $0x3  }
0x33: {  	p0 =	seq.s32 s10, $0x1;
	s10 =	sld [smem:$0x3FB8];
	_ =	sdelay $0x3  }
0x34: {  	[smem:$0x3FB8] =	sst s10  }
0x35: {  	s10 =	sld [smem:$0x3FB7];
	_ =	sdelay $0x3  }
0x36: {  	p1 =	seq.s32 s10, $0x1;
	s10 =	sld [smem:$0x3FB8];
	_ =	sdelay $0x3  }
0x37: {  	[smem:$0x3FB8] =	sst s10  }
0x38: {  	s10 =	sld [smem:$0x3FB9]  }
0x39: {  	_ = 	snop;
	(pc) =	sbr.ind lr, $3  }
0x3a: {  	_ = 	snop  }
0x3b: {  	_ = 	snop  }
0x3c: {  	p2 =	seq.s32 s10, $0x1;
	s10 =	sld [smem:$0x3FB8]  }
0x3d: {  	_ =	shalt  }
0x3e: {  	_ =	shalt  }
0x3f: {  	_ =	shalt  }
0x40: {  	_ =	shalt  }
0x41: {  	_ =	shalt  }
0x42: {  	_ =	shalt  }
0x43: {  	_ =	shalt  }
0x44: {  	_ =	shalt  }
0x45: {  	_ =	shalt  }
0x46: {  	_ =	shalt  }
0x47: {  	_ =	shalt  }
0x48: {  	_ =	shalt  }
0x49: {  	_ =	shalt  }
0x4a: {  	_ =	shalt  }
0x4b: {  	_ =	shalt  }
0x4c: {  	_ =	shalt  }
0x4d: {  	_ =	shalt  }
0x4e: {  	_ =	shalt  }
0x4f: {  	_ =	shalt  }
0x50: {  	_ =	shalt  }
0x51: {  	_ =	shalt  }
0x52: {  	_ =	shalt  }
0x53: {  	_ =	shalt  }
0x54: {  	_ =	shalt  }
0x55: {  	_ =	shalt  }
0x56: {  	_ =	shalt  }
0x57: {  	_ =	shalt  }
0x58: {  	_ =	shalt  }
0x59: {  	_ =	shalt  }
0x5a: {  	_ =	shalt  }
0x5b: {  	_ =	shalt  }
0x5c: {  	_ =	shalt  }
0x5d: {  	_ =	shalt  }
0x5e: {  	_ =	shalt  }
0x5f: {  	_ =	shalt  }
0x60: {  	_ =	shalt  }
0x61: {  	_ =	shalt  }
0x62: {  	_ =	shalt  }
0x63: {  	_ =	shalt  }
0x64: {  	_ =	shalt  }
0x65: {  	_ =	shalt  }
0x66: {  	_ =	shalt  }
0x67: {  	_ =	shalt  }
0x68: {  	_ =	shalt  }
0x69: {  	_ =	shalt  }
0x6a: {  	_ =	shalt  }
0x6b: {  	_ =	shalt  }
0x6c: {  	_ =	shalt  }
0x6d: {  	_ =	shalt  }
0x6e: {  	_ =	shalt  }
0x6f: {  	_ =	shalt  }
0x70: {  	_ =	shalt  }
0x71: {  	_ =	shalt  }
0x72: {  	_ =	shalt  }
0x73: {  	_ =	shalt  }
0x74: {  	_ =	shalt  }
0x75: {  	_ =	shalt  }
0x76: {  	_ =	shalt  }
0x77: {  	_ =	shalt  }
0x78: {  	_ =	shalt  }
0x79: {  	_ =	shalt  }
0x7a: {  	_ =	shalt  }
0x7b: {  	_ =	shalt  }
0x7c: {  	_ =	shalt  }
0x7d: {  	_ =	shalt  }
0x7e: {  	_ =	shalt  }
0x7f: {  	_ =	shalt  }
0x80: {  	_ =	shalt  }
0x81: {  	_ =	shalt  }
0x82: {  	_ =	shalt  }
0x83: {  	_ =	shalt  }
0x84: {  	_ =	shalt  }
0x85: {  	_ =	shalt  }
0x86: {  	_ =	shalt  }
0x87: {  	_ =	shalt  }
.Lfunc_end0:
.L_simem_size_0:
called_computation_lowered:
.L_overlay_start_0:
0x88: {  	s2 =	sld [smem:$0x3FD9]  }
0x89: {  	s3 =	sld [smem:$0x3FFE];
	_ =	sdelay $0x1  }
0x8a: {  	s1 =	srdreg.scid  }
0x8b: {  	s0 =	sand.u32 $0x1, s1  }
0x8c: {  	s14 =	sshll.u32 s0, $0xA;
	s2 =	sadd.s32 s3, s2  }
0x8d: {  	s2 =	sadd.s32 s2, s14  }
0x8e: {  	[smem:$0x3FC4] =	sst s2  }
0x8f: {  	_ = 	snop  }
0x90: {  	s2 =	sld [smem:$0x3FD0];
	_ =	sdelay $0x2  }
0x91: {  	s15 =	simm.s32 $0xA;
	s4 =	simm.s32 $0x10  }
0x92: {  	[smem:s4], [sflag:s15] =	dma.local [hbm:s2], $0x1  }
0x93: {  	_ =	swait.eq [sflag:s15], $0x1  }
0x94: {  	[sflag:s15] =	ssyncset.done $0x0  }
0x95: {  	[sflag:s15] =	ssyncadd.s32 $0xFFFFFFFF  }
0x96: {  	s16 =	sld [smem:$0x10];
	(tm) =	ssettm $0x1  }
0x97: {  	s17 =	sld [smem:$0x3FFB];
	_ =	sdelay $0x3  }
0x98: {  	_ =	strace s17  }
0x99: {  	s3 =	sld [smem:$0x3FFC];
	_ =	sdelay $0x3  }
0x9a: {  	_ =	strace s3  }
0x9b: {  	s3 =	sld [smem:$0x3FFD];
	_ =	sdelay $0x3  }
0x9c: {  	_ =	strace s3  }
0x9d: {  	_ =	strace $0x8FFFFFFF  }
0x9e: {  	s18 =	sld [smem:$0x3FDB];
	_ =	sdelay $0x1  }
0x9f: {  	s19 =	simm.s32 $_scs_section_size  }
0xa0: {  	s5 =	simm.s32 $_size__tile_overlayer_lowered;
	s6 =	simm.s32 $_tile_overlayer_lowered  }
0xa1: {  	s22 =	simm.s32 $0x1BFF;
	s21 =	sshll.u32 s6, $0x1;
	s3 =	sadd.s32 s19, s18  }
0xa2: {  	s7 =	simm.s32 $0x0;
	s20 =	sshll.u32 s5, $0x1;
	s5 =	sadd.s32 s21, s3  }
0xa3: {  	[timem:s7], [sflag:s22] =	dma.local [hbm:s5], s20  }
0xa4: {  	_ =	swait.ge [sflag:s22], s20  }
0xa5: {  	s4 =	ssub.s32 $0x0, s20;
	[sflag:s22] =	ssyncset.done $0x0  }
0xa6: {  	[sflag:s22] =	ssyncadd.s32 s4;
	_ =	sdelay $0x1  }
0xa7: {  	s23 =	simm.s32 $0x1B8B  }
0xa8: {  	_ =	swait.ge [sflag:s23], $0x1  }
0xa9: {  	[sflag:s23] =	ssyncset.done $0x0  }
0xaa: {  	s25 =	simm.s32 $0x1B8E;
	s24 =	sld [smem:$0x3FFE];
	[sflag:s23] =	ssyncadd.s32 $0xFFFFFFFF  }
0xab: {  	s26 =	simm.s32 $execute0_lowered;
	[smem:$0x3FD2] =	sst s25  }
0xac: {  	s5 =	sshll.u32 s26, $0x1;
	_ =	strace $0x80000046;
	[dreg:$0x1] =	wrdreg $0xFFFFFFFF  }
0xad: {  	s28 =	simm.s32 $_size_execute0_lowered;
	s3 =	sadd.s32 s3, s5;
	[dreg:$0x0] =	wrdreg $0x0  }
0xae: {  	s5 =	sshll.u32 s28, $0x1;
	[dreg:$0x2] =	wrdreg s3  }
0xaf: {  	[dreg:$0x3] =	wrdreg s5  }
0xb0: {  	[dreg:$0x4] =	wrdreg $0xC0  }
0xb1: {  	_ =	task [dreg:s7], $0x5FFFF  }
0xb2: {  	[dreg:$0x1] =	wrdreg $0xFFFFFFFF  }
0xb3: {  	[dreg:$0x0] =	wrdreg $0x60  }
0xb4: {  	[dreg:$0x2] =	wrdreg s16  }
0xb5: {  	[dreg:$0x3] =	wrdreg s24  }
0xb6: {  	[dreg:$0x4] =	wrdreg $0x9  }
0xb7: {  	_ =	task.clear_ibuf [dreg:s7], $0x5FFFF;
	_ =	strace $0x90000046  }
0xb8: {  	s29 =	simm.s32 $0x9;
	_ =	strace $0x80000048  }
0xb9: {  	_ =	swait.ge [sflag:s29], $0x1  }
0xba: {  	[sflag:s29] =	ssyncadd.s32 $0xFFFFFFFF  }
0xbb: {  	_ =	strace $0x90000048  }
0xbc: {  	_ =	sfence  }
0xbd: {  	s30 =	sld [smem:$0x0];
	_ =	sdelay $0x2  }
0xbe: {  	s31 =	sshll.u32 s1, $0xD;
	s1 =	sshrl.u32 s1, $0x2  }
0xbf: {  	s3 =	sand.u32 $0x4000, s31;
	s1 =	sadd.s32 s1, s30  }
0xc0: {  	s0 =	sor.u32 s3, s0;
	s1 =	sshll.u32 s1, $0x11  }
0xc1: {  	s0 =	sor.u32 s1, s0  }
0xc2: {  	s0 =	sadd.s32 $0x8F2B, s0  }
0xc3: {  	[sflag:s0] =	ssyncadd.remote.s32 $0x1  }
0xc4: {  	_ =	sfence.sel $0xFFFF  }
0xc5: {  	[dreg:$0x0] =	wrdreg $0xFFFFFFFF;
	(pc) =	sbr.abs _section_cstart, $3  }
0xc6: {  	[dreg:$0x1] =	wrdreg $0xFFFFFFFF  }
0xc7: {  	_ =	task.clear_ibuf [dreg:s7], $0x2FFFF;
	_ =	strace $0x9FFFFFFF  }
0xc8: {  	(tm) =	ssettm $0x7FFFFFFF  }
0xc9: {  	_ =	shalt  }
tec
execute0_lowered:
.L_overlay_start_1:
0x0: {  	(tag) =	ssettag $0x1  }
0x1: {  	s1 =	rddreg [dreg:$0x0]  }
0x2: {  	s8 =	rddreg [dreg:$0x1];
	s2 =	simm.s32 $0x0  }
0x3: {  	[smem:$0x7FF] =	sst s2  }
0x4: {  	s0 =	rddreg [dreg:$0x2];
	v0 =	vimm.f32 $9.000000000e+00;
	_ =	strace $0x80000047  }
0x5: {  	(erf) = vrcp.f32 v0;
	_ =	sdelay $0x1  }
0x6: {  	s6 =	srdreg.scid;
	s3 =	stileid.u32;
	s13 =	simm.s32 $0x880  }
0x7: {  	s14 =	simm.s32 $0x1080;
	s15 =	simm.s32 $0x1880;
	s16 =	simm.s32 $0x1900  }
0x8: {  	s17 =	simm.s32 $0x0;
	s7 =	sand.u32 $0x1, s6;
	s9 =	sshll.u32 s3, $0x1  }
0x9: {  	s4 =	sadd.s32 $0x2C00, s8;
	s5 =	sadd.s32 $0x142C00, s8;
	s9 =	sor.u32 s7, s9  }
0xa: {  	s6 =	sadd.s32 $0x282C00, s8;
	s10 =	ssub.s32 $0x2, s7;
	s11 =	sshll.u32 s9, $0x4  }
0xb: {  	s7 =	sadd.s32 $0x3C2C00, s8;
	s12 =	sshrl.u32 s10, $0x1;
	s11 =	sadd.s32 s11, s8  }
0xc: {  	v1 =	vlaneseq.u32;
	s10 =	ssub.s32 s10, s12;
	s8 =	smul.u32 $0xA00, s9;
	s12 =	simm.s32 $0x80  }
0xd: {  	v2 =	vimm.f32 $1.000000000e+00;
	v3 =	vimm.f32 $0.0e+00;
	v1 =	vmul.u32 $0x80, v1;
	s9 =	sadd.s32 $0x3C5400, s11;
	s10 =	smax.u32 s10, $0x1;
	s11 =	simm.s32 $0x1;
	v0 =	vpop (erf)  }
.LBB2_1:
0xe: {  	v4 =	vimm.f32 $0.0e+00;
	s18 =	simm.s32 $0x0  }
.LBB2_2:
0xf: {  	s19 =	sshll.u32 s18, $0x4  }
0x10: {  	s20 =	sadd.s32 s8, s19  }
0x11: {  	s19 =	sshrl.u32 s20, $0x3  }
0x12: {  	s22 =	simm.s32 $0x0;
	s21 =	sadd.s32 s1, s19  }
0x13: {  	[tilespmem:s22], [sflag:$0x1] =	stream.linear.gather [hbm4b:s21+s22], $0x10, $0x38;
	[tilespmem:$0x1980] =	vst v63  }
0x14: {  	_ =	swait.ge [sflag:s11], $0x10  }
0x15: {  	s20 =	sshll.u32 s20, $0x4;
	[sflag:s11] =	ssyncset.done $0x0  }
0x16: {  	s26 =	sadd.s32 s4, s20;
	[sflag:s11] =	ssyncadd.s32 $0xFFFFFFF0  }
0x17: {  	[tilespmem:s12], [sflag:$0x1] =	stream.linear.gather [hbm4b:s26+s22], $0x800, $0x38;
	[tilespmem:$0x1980] =	vst v63  }
0x18: {  	_ =	swait.ge [sflag:s11], $0x800  }
0x19: {  	[sflag:s11] =	ssyncset.done $0x0  }
0x1a: {  	v5 =	vmov s22;
	s28 =	sadd.s32 s5, s20;
	[sflag:s11] =	ssyncadd.s32 $0xFFFFF800  }
0x1b: {  	v5 =	vand.u32 $0x7F, v5;
	[tilespmem:s13], [sflag:$0x1] =	stream.linear.gather [hbm4b:s28+s22], $0x800, $0x38;
	[tilespmem:$0x1980] =	vst v63  }
0x1c: {  	s29 =	simm.s32 $0x1;
	v5 =	vbroadcast v5, $0x0;
	_ =	swait.ge [sflag:s11], $0x800  }
0x1d: {  	v6 =	vmov s29;
	[sflag:s11] =	ssyncset.done $0x0  }
0x1e: {  	v6 =	vand.u32 $0x7F, v6;
	s20 =	sadd.s32 s6, s20;
	v5 =	vor.u32 v1, v5;
	[sflag:s11] =	ssyncadd.s32 $0xFFFFF800  }
0x1f: {  	v6 =	vbroadcast v6, $0x0;
	[tilespmem:s14], [sflag:$0x1] =	stream.linear.gather [hbm4b:s20+s22], $0x800, $0x38;
	[tilespmem:$0x1980] =	vst v63  }
0x20: {  	_ =	swait.ge [sflag:s11], $0x800  }
0x21: {  	v6 =	vor.u32 v1, v6;
	[sflag:s11] =	ssyncset.done $0x0  }
0x22: {  	[sflag:s11] =	ssyncadd.s32 $0xFFFFF800  }
0x23: {  	v8 =	vld.idx.msk [tilespmem:v5+s13+$0x0], $0xffff  }
0x24: {  	v5 =	vld.idx.msk [tilespmem:v5+s12+$0x0], $0xffff  }
0x25: {  	s30 =	simm.s32 $0x2  }
0x26: {  	v7 =	vmov s30;
	v9 =	vld.idx.msk [tilespmem:v6+s13+$0x0], $0xffff  }
0x27: {  	v7 =	vand.u32 $0x7F, v7  }
0x28: {  	v7 =	vbroadcast v7, $0x0;
	v8 =	vmul.f32 $1.442695020e+00, v8  }
0x29: {  	v10 =	vmul.f32 $1.442695020e+00, v5  }
0x2a: {  	s31 =	simm.s32 $0x3;
	v7 =	vor.u32 v1, v7;
	v11 =	vld.idx.msk [tilespmem:v6+s12+$0x0], $0xffff;
	(erf) = vpow2.f32 v8  }
0x2b: {  	v6 =	vmov s31;
	v13 =	vmul.f32 $1.442695020e+00, v9;
	(erf) = vpow2.f32 v10  }
0x2c: {  	v6 =	vand.u32 $0x7F, v6  }
0x2d: {  	v12 =	vbroadcast v6, $0x0;
	(erf) = vpow2.f32 v13  }
0x2e: {  	v5 =	vld [tilespmem:$0x0]  }
0x2f: {  	v11 =	vmul.f32 $1.442695020e+00, v11;
	v8 =	vld.idx.msk [tilespmem:v7+s13+$0x0], $0xffff;
	v10 =	vor.u32 v1, v12  }
0x30: {  	s20 =	simm.s32 $0x4;
	v6 =	vimm.f32 $0.0e+00;
	v9 =	vld.idx.msk [tilespmem:v7+s12+$0x0], $0xffff;
	v7 =	vimm.f32 $0.0e+00  }
.LBB2_3:
0x31: {  	v12 =	vmov s20;
	p0 =	sne.s32 s20, $0x1F;
	s20 =	sadd.s32 $0x1, s20;
	(erf) = vpow2.f32 v11  }
.Ltmp0:
0x32: {  	v13 =	vand.u32 $0x7F, v12;
	(pc) =	sbr.rel @p0 .LBB2_3-.Ltmp0, $4  }
0x33: {  	v12 =	vbroadcast v13, $0x0;
	v11 =	vpop (erf)  }
0x34: {  	v13 =	vmul.f32 $1.442695020e+00, v8;
	v8 =	vld.idx.msk [tilespmem:v10+s13+$0x0], $0xffff;
	v6 =	vadd.f32 v11, v6;
	v14 =	vpop (erf)  }
0x35: {  	v11 =	vmul.f32 $1.442695020e+00, v9;
	v9 =	vld.idx.msk [tilespmem:v10+s12+$0x0], $0xffff;
	v10 =	vor.u32 v1, v12;
	v7 =	vadd.f32 v14, v7  }
0x36: {  	(erf) = vpow2.f32 v13  }
0x37: {  	_ =	sdelay $0x3  }
0x38: {  	v12 =	vld.idx.msk [tilespmem:v10+s13+$0x0], $0xffff  }
0x39: {  	v10 =	vld.idx.msk [tilespmem:v10+s12+$0x0], $0xffff;
	_ =	sdelay $0x1  }
0x3a: {  	v8 =	vmul.f32 $1.442695020e+00, v8  }
0x3b: {  	(erf) = vpow2.f32 v11;
	v9 =	vmul.f32 $1.442695020e+00, v9  }
0x3c: {  	s20 =	simm.s32 $0x0;
	(erf) = vpow2.f32 v8;
	v8 =	vmul.f32 $1.442695020e+00, v12  }
0x3d: {  	(erf) = vpow2.f32 v9;
	v9 =	vmul.f32 $1.442695020e+00, v10;
	v10 =	vmov s20  }
0x3e: {  	(erf) = vpow2.f32 v8;
	v8 =	vand.u32 $0x7F, v10  }
0x3f: {  	(erf) = vpow2.f32 v9;
	v8 =	vbroadcast v8, $0x0;
	_ =	sdelay $0x1  }
0x40: {  	v9 =	vpop (erf);
	v8 =	vor.u32 v1, v8  }
0x41: {  	v10 =	vpop (erf)  }
0x42: {  	v11 =	vpop (erf);
	v7 =	vadd.f32 v10, v7  }
0x43: {  	v6 =	vadd.f32 v9, v6;
	v10 =	vpop (erf)  }
0x44: {  	s30 =	simm.s32 $0x1;
	v7 =	vadd.f32 v10, v7;
	v9 =	vpop (erf)  }
0x45: {  	v12 =	vmov s30;
	v6 =	vadd.f32 v11, v6;
	v10 =	vpop (erf);
	v11 =	vld.idx.msk [tilespmem:v8+s12+$0x0], $0xffff  }
0x46: {  	v12 =	vand.u32 $0x7F, v12;
	v7 =	vadd.f32 v10, v7;
	v10 =	vpop (erf)  }
0x47: {  	v12 =	vbroadcast v12, $0x0;
	v6 =	vadd.f32 v9, v6;
	v8 =	vld.idx.msk [tilespmem:v8+s13+$0x0], $0xffff;
	v9 =	vpop (erf)  }
0x48: {  	v7 =	vadd.f32 v9, v7  }
0x49: {  	v6 =	vadd.f32 v10, v6;
	v9 =	vor.u32 v1, v12  }
0x4a: {  	(erf) = vrcp.f32 v7;
	v7 =	vmul.f32 $1.442695020e+00, v11  }
0x4b: {  	(erf) = vrcp.f32 v6  }
0x4c: {  	v6 =	vmul.f32 $1.442695020e+00, v8;
	(erf) = vpow2.f32 v7  }
0x4d: {  	s21 =	simm.s32 $0x2  }
0x4e: {  	v7 =	vmov s21;
	(erf) = vpow2.f32 v6;
	v6 =	vld.idx.msk [tilespmem:v9+s12+$0x0], $0xffff  }
0x4f: {  	v7 =	vand.u32 $0x7F, v7  }
0x50: {  	v9 =	vld.idx.msk [tilespmem:v9+s13+$0x0], $0xffff;
	v7 =	vbroadcast v7, $0x0  }
0x51: {  	s20 =	scvt.s32.f32 s30  }
0x52: {  	v10 =	vor.u32 v1, v7  }
0x53: {  	s22 =	smul.f32 $9.999999770e-03, s20;
	s20 =	simm.s32 $0x3;
	v6 =	vmul.f32 $1.442695020e+00, v6;
	v8 =	vpop (erf)  }
0x54: {  	v18 =	vmov s20;
	v7 =	vpop (erf)  }
0x55: {  	v12 =	vimm.f32 $0.0e+00;
	v11 =	vmul.f32 $1.442695020e+00, v9;
	(erf) = vpow2.f32 v6;
	v13 =	vpop (erf)  }
0x56: {  	vm1 =	veq.f32 v12, $0.0e+00;
	v8 =	vmul.f32 $5.679999830e+00, v8;
	v14 =	vadd.f32 v13, v12  }
0x57: {  	v9 =	vimm.f32 $-3.000000000e+00;
	v6 =	vmax.f32 v5, $-3.000000000e+00;
	(erf) = vpow2.f32 v11;
	v17 =	vld.idx.msk [tilespmem:v10+s12+$0x0], $0xffff  }
0x58: {  	s22 =	sadd.f32 $-3.000000000e+00, s22;
	v7 =	vmul.f32 $5.679999830e+00, v7;
	v19 =	vld.idx.msk [tilespmem:v10+s13+$0x0], $0xffff;
	v10 =	vand.u32 $0x7F, v18;
	v11 =	vmul.f32 v14, v8  }
0x59: {  	v6 =	vmin.f32 v6, $3.000000000e+00;
	v15 =	vpop (erf);
	v13 =	vmul.f32 v13, v8;
	v20 =	vbroadcast v10, $0x0  }
0x5a: {  	v10 =	vimm.f32 $1.000000000e+00;
	v16 =	vadd.f32 v15, v12;
	v11 =	vadd.f32 s22, v11  }
0x5b: {  	v15 =	vmul.f32 v15, v7;
	v25 =	vadd.f32 $9.999999770e-03, v13;
	v21 =	vor.u32 v1, v20  }
0x5c: {  	v18 =	vmul.f32 v16, v7;
	v17 =	vmul.f32 $1.442695020e+00, v17;
	vm0 =	vlt.f32 v11, v6  }
0x5d: {  	v15 =	vadd.f32 $9.999999770e-03, v15;
	v19 =	vmul.f32 $1.442695020e+00, v19;
	vm0 =	vmneg vm0  }
0x5e: {  	s21 =	scvt.s32.f32 s21;
	v13 =	vadd.f32 s22, v18;
	v22 =	vpop (erf);
	(erf) = vpow2.f32 v17;
	v18 =	vsel vm0, $0x0, v2  }
0x5f: {  	vm1 =	vmand vm1, vm0;
	v20 =	vadd.f32 v22, v14;
	v17 =	vmul.f32 v22, v8  }
0x60: {  	s31 =	smul.f32 $9.999999770e-03, s21;
	v22 =	vpop (erf);
	(erf) = vpow2.f32 v19;
	v19 =	vimm.f32 $-3.000000000e+00;
	v18 =	vadd.f32 v18, v12  }
0x61: {  	v14 =	vsel vm1, $0x3F800000, v12;
	v12 =	vadd.f32 v22, v16;
	v22 =	vmul.f32 v22, v7  }
0x62: {  	s21 =	simm.s32 $0x4;
	s22 =	sadd.f32 $-3.000000000e+00, s31;
	v23 =	vld.idx.msk [tilespmem:v21+s12+$0x0], $0xffff;
	v24 =	vmul.f32 v20, v8;
	v16 =	vadd.f32 $9.999999770e-03, v17;
	v17 =	vsel vm1, v25, v10  }
.LBB2_5:
0x63: {  	v25 =	vmov s21;
	p0 =	sne.s32 s21, $0x1F;
	v26 =	vld.idx.msk [tilespmem:v21+s13+$0x0], $0xffff;
	v21 =	vmul.f32 v12, v7;
	v22 =	vadd.f32 $9.999999770e-03, v22  }
0x64: {  	v10 =	vsel vm1, v15, v10;
	v25 =	vand.u32 $0x7F, v25;
	v24 =	vadd.f32 s22, v24  }
0x65: {  	v9 =	vsel vm0, v9, v11;
	v25 =	vbroadcast v25, $0x0;
	v27 =	vadd.f32 s22, v21;
	v15 =	vmovc v22  }
0x66: {  	v19 =	vsel vm0, v19, v13;
	vm1 =	vlt.f32 v24, v6;
	v11 =	vmov v24  }
0x67: {  	v21 =	vor.u32 v1, v25;
	vm0 =	vmneg vm1;
	vm1 =	veq.f32 v14, $0.0e+00;
	v13 =	vmovc v27  }
.Ltmp1:
0x68: {  	s22 =	scvt.s32.f32 s20;
	s20 =	smov.u32 s21;
	v27 =	vmul.f32 $1.442695020e+00, v23;
	v23 =	vsel vm0, $0x0, v2;
	vm1 =	vmand vm1, vm0;
	(pc) =	sbr.rel @p0 .LBB2_5-.Ltmp1, $4  }
0x69: {  	v24 =	vmul.f32 $1.442695020e+00, v26;
	v25 =	vpop (erf);
	v18 =	vadd.f32 v23, v18;
	v14 =	vsel vm1, $0x3F800000, v14  }
0x6a: {  	s22 =	smul.f32 $9.999999770e-03, s22;
	(erf) = vpow2.f32 v27;
	v20 =	vadd.f32 v25, v20;
	v25 =	vmul.f32 v25, v8;
	v22 =	vpop (erf)  }
0x6b: {  	(erf) = vpow2.f32 v24;
	v12 =	vadd.f32 v22, v12;
	v22 =	vmul.f32 v22, v7  }
0x6c: {  	s21 =	sadd.s32 $0x1, s21;
	s22 =	sadd.f32 $-3.000000000e+00, s22;
	v17 =	vsel vm1, v16, v17;
	v23 =	vld.idx.msk [tilespmem:v21+s12+$0x0], $0xffff;
	v24 =	vmul.f32 v20, v8;
	v16 =	vadd.f32 $9.999999770e-03, v25  }
0x6d: {  	_ =	sdelay $0x3  }
0x6e: {  	v23 =	vmul.f32 $1.442695020e+00, v23;
	_ =	sdelay $0x1  }
0x6f: {  	(erf) = vpow2.f32 v23;
	_ =	sdelay $0x5  }
0x70: {  	s20 =	scvt.s32.f32 s20  }
0x71: {  	v42 =	vpop (erf)  }
0x72: {  	s21 =	scvt.s32.f32 s21;
	s20 =	smul.f32 $9.999999770e-03, s20;
	v20 =	vadd.f32 v42, v20;
	v25 =	vpop (erf)  }
0x73: {  	v26 =	vpop (erf)  }
0x74: {  	v24 =	vadd.f32 s22, v24;
	s21 =	smul.f32 $9.999999770e-03, s21;
	s20 =	sadd.f32 $-3.000000000e+00, s20;
	v27 =	vmul.f32 v20, v8;
	v20 =	vadd.f32 v26, v20  }
0x75: {  	_ = 	snop  }
0x76: {  	vm2 =	vlt.f32 v24, v6;
	s21 =	sadd.f32 $-3.000000000e+00, s21;
	v27 =	vadd.f32 s20, v27;
	v20 =	vmul.f32 v20, v8  }
0x77: {  	vm4 =	vmneg vm2  }
0x78: {  	v28 =	vsel vm4, $0x0, v2;
	vm12 =	vlt.f32 v27, v6;
	v20 =	vadd.f32 s21, v20  }
0x79: {  	v18 =	vadd.f32 v28, v18;
	vm3 =	vmneg vm12  }
0x7a: {  	v43 =	vsel vm3, $0x0, v2;
	vm13 =	vlt.f32 v20, v6  }
0x7b: {  	v18 =	vadd.f32 v43, v18;
	vm2 =	vmneg vm13  }
0x7c: {  	v44 =	vsel vm2, $0x0, v2  }
0x7d: {  	v18 =	vadd.f32 v44, v18;
	_ =	sdelay $0x1  }
0x7e: {  	v28 =	vtrunc.f32 v18  }
0x7f: {  	v28 =	vcvt.f32.s32 v28;
	_ =	sdelay $0x1  }
0x80: {  	v29 =	vadd.s32 $0xFFFFFFFF, v28  }
0x81: {  	vm5 =	vgt.s32 v29, $0x0  }
0x82: {  	v29 =	vnsel vm5, $0x0, v29  }
0x83: {  	v29 =	vadd.s32 v1, v29;
	_ =	sdelay $0x4  }
0x84: {  	v29 =	vld.idx.msk [tilespmem:v29+s14+$0x0], $0xffff;
	_ =	sdelay $0x1  }
0x85: {  	v21 =	vld.idx.msk [tilespmem:v21+s13+$0x0], $0xffff;
	_ =	sdelay $0x2  }
0x86: {  	v30 =	vand.u32 $0x7FFFFFFF, v29  }
0x87: {  	v30 =	vsub.f32 $0.0e+00, v30  }
0x88: {  	v21 =	vmul.f32 $1.442695020e+00, v21  }
0x89: {  	v30 =	vmul.f32 $1.442695020e+00, v30  }
0x8a: {  	(erf) = vpow2.f32 v21  }
0x8b: {  	(erf) = vpow2.f32 v30;
	_ =	sdelay $0x2  }
0x8c: {  	vm14 =	vlt.s32 v28, $0x1E  }
0x8d: {  	v45 =	vnsel vm14, $0x1E, v28  }
0x8e: {  	v21 =	vadd.s32 v1, v45;
	_ =	sdelay $0x2  }
0x8f: {  	v46 =	vpop (erf)  }
0x90: {  	v30 =	vpop (erf)  }
0x91: {  	v21 =	vld.idx.msk [tilespmem:v21+s14+$0x0], $0xffff;
	v30 =	vadd.f32 $1.000000000e+00, v30;
	_ =	sdelay $0x1  }
0x92: {  	v31 =	vand.u32 $0x7FFFFF, v30  }
0x93: {  	v31 =	vor.u32 $0x3F800000, v31  }
0x94: {  	v32 =	vmul.f32 $5.000000000e-01, v31  }
0x95: {  	v33 =	vand.u32 $0x7FFFFFFF, v21;
	vm15 =	vgt.f32 v31, $1.414213540e+00  }
0x96: {  	v47 =	vsub.f32 $0.0e+00, v33;
	v31 =	vsel vm15, v32, v31  }
0x97: {  	v48 =	vadd.f32 $1.000000000e+00, v31  }
0x98: {  	v32 =	vmul.f32 $1.442695020e+00, v47  }
0x99: {  	(erf) = vrcp.f32 v48  }
0x9a: {  	(erf) = vpow2.f32 v32;
	_ =	sdelay $0x7  }
0x9b: {  	v49 =	vpop (erf)  }
0x9c: {  	v50 =	vpop (erf)  }
0x9d: {  	v33 =	vadd.f32 $1.000000000e+00, v50;
	_ =	sdelay $0x1  }
0x9e: {  	v34 =	vand.u32 $0x7FFFFF, v33  }
0x9f: {  	v34 =	vor.u32 $0x3F800000, v34  }
0xa0: {  	v35 =	vmul.f32 $5.000000000e-01, v34  }
0xa1: {  	vm6 =	vgt.f32 v34, $1.414213540e+00  }
0xa2: {  	v34 =	vsel vm6, v35, v34  }
0xa3: {  	v35 =	vadd.f32 $1.000000000e+00, v34;
	_ =	sdelay $0x1  }
0xa4: {  	(erf) = vrcp.f32 v35;
	_ =	sdelay $0x4  }
0xa5: {  	v53 =	vmul.f32 v12, v7  }
0xa6: {  	v10 =	vsel vm1, v15, v10;
	v9 =	vsel vm0, v9, v11;
	v52 =	vsel vm0, v19, v13  }
0xa7: {  	vm9 =	veq.f32 v14, $0.0e+00;
	v13 =	vadd.f32 s22, v53;
	v51 =	vadd.f32 $-1.000000000e+00, v31  }
0xa8: {  	v54 =	vadd.f32 $9.999999770e-03, v22;
	vm0 =	vmand vm9, vm4;
	v55 =	vadd.f32 $-1.000000000e+00, v34  }
0xa9: {  	v9 =	vsel vm4, v9, v24;
	v11 =	vsel vm4, v52, v13;
	v15 =	vmul.f32 v49, v51;
	v58 =	vpop (erf)  }
0xaa: {  	v56 =	vsel vm0, $0x3F800000, v14;
	v16 =	vsel vm0, v16, v17;
	v59 =	vmul.f32 v58, v55  }
0xab: {  	v10 =	vsel vm0, v54, v10;
	v60 =	vmul.f32 v42, v8;
	v57 =	vmul.f32 v15, v15  }
0xac: {  	vm10 =	veq.f32 v56, $0.0e+00;
	v62 =	vadd.f32 v25, v12;
	v63 =	vmul.f32 v59, v59  }
0xad: {  	v25 =	vmul.f32 v25, v7;
	v22 =	vadd.f32 $9.999999770e-03, v60;
	v61 =	vmul.f32 v57, v0  }
0xae: {  	v38 =	vmul.f32 v62, v7;
	vm0 =	vmand vm10, vm3;
	v36 =	vmul.f32 v63, v0  }
0xaf: {  	v9 =	vsel vm3, v9, v27;
	v14 =	vsel vm0, $0x3F800000, v56;
	v13 =	vadd.f32 $1.428571490e-01, v61  }
0xb0: {  	v16 =	vsel vm0, v22, v16;
	v35 =	vmul.f32 v26, v8;
	v26 =	vadd.f32 $1.428571490e-01, v36  }
0xb1: {  	v43 =	vadd.f32 $9.999999770e-03, v25;
	vm11 =	veq.f32 v14, $0.0e+00;
	v13 =	vmul.f32 v13, v57  }
0xb2: {  	v12 =	vadd.f32 v46, v62;
	v14 =	vadd.f32 s20, v38;
	v26 =	vmul.f32 v26, v63  }
0xb3: {  	vm1 =	vmand vm11, vm2;
	v28 =	vmul.f32 v46, v7;
	v13 =	vadd.f32 $2.000000030e-01, v13  }
0xb4: {  	v7 =	vmul.f32 v12, v7;
	v30 =	vshra.s32 v30, $0x17;
	v26 =	vadd.f32 $2.000000030e-01, v26  }
0xb5: {  	v30 =	vadd.s32 $0xFFFFFF81, v30;
	v13 =	vmul.f32 v13, v57;
	v8 =	vadd.f32 $9.999999770e-03, v35  }
0xb6: {  	v30 =	vcvt.s32.f32 v30;
	v15 =	vadd.f32 v15, v15;
	v41 =	vmul.f32 v26, v63  }
0xb7: {  	v42 =	vshra.s32 v33, $0x17;
	v39 =	vadd.f32 $3.333333430e-01, v13;
	v8 =	vsel vm1, v8, v16  }
0xb8: {  	(erf) = vrcp.f32 v8;
	v8 =	vadd.s32 $0xFFFFFF81, v42;
	v16 =	vadd.f32 $3.333333430e-01, v41  }
0xb9: {  	v34 =	vsel vm15, $0x3F800000, v3;
	v12 =	vmul.f32 v39, v57;
	v8 =	vcvt.s32.f32 v8  }
0xba: {  	v37 =	vsel vm6, $0x3F800000, v3;
	v40 =	vadd.f32 v30, v34;
	v16 =	vmul.f32 v16, v63  }
0xbb: {  	v10 =	vsel vm0, v43, v10;
	v12 =	vadd.f32 $1.000000000e+00, v12;
	v8 =	vadd.f32 v8, v37  }
0xbc: {  	v9 =	vsel vm2, v9, v20;
	v45 =	vadd.f32 v59, v59;
	v16 =	vadd.f32 $1.000000000e+00, v16  }
0xbd: {  	v6 =	vsub.f32 v6, v9;
	v13 =	vmul.f32 $6.931471820e-01, v40;
	v12 =	vmul.f32 v12, v15  }
0xbe: {  	v7 =	vadd.f32 s21, v7;
	v8 =	vmul.f32 $6.931471820e-01, v8;
	v46 =	vmul.f32 v16, v45  }
0xbf: {  	v11 =	vsel vm3, v11, v14;
	v44 =	vadd.f32 $9.999999770e-03, v28;
	v47 =	vadd.f32 v12, v13  }
0xc0: {  	v7 =	vsel vm2, v11, v7;
	v49 =	vmax.f32 v29, $0.0e+00;
	v8 =	vadd.f32 v46, v8  }
0xc1: {  	v48 =	vsub.f32 $3.000000000e+00, v7;
	v50 =	vmax.f32 v21, $0.0e+00;
	v11 =	vadd.f32 v47, v49  }
0xc2: {  	vm12 =	veq.f32 v18, $3.100000000e+01;
	v10 =	vsel vm1, v44, v10;
	v51 =	vpop (erf);
	v8 =	vadd.f32 v8, v50  }
0xc3: {  	v9 =	vsel vm12, v48, v10;
	v52 =	vadd.f32 $9.999999770e-03, v11;
	v6 =	vmul.f32 v51, v6  }
0xc4: {  	vm13 =	veq.f32 v18, $0.0e+00;
	v53 =	vmul.f32 v9, v51;
	v8 =	vadd.f32 $9.999999770e-03, v8  }
0xc5: {  	v10 =	vsel vm13, $0x3F800000, v52;
	v6 =	vmax.f32 v6, $0.0e+00  }
0xc6: {  	v14 =	vadd.f32 v53, v53;
	v6 =	vmin.f32 v6, $1.000000000e+00;
	v8 =	vsel vm12, $0x3F800000, v8  }
0xc7: {  	v54 =	vsub.f32 $1.000000000e+00, v6;
	v55 =	vadd.f32 v8, v10;
	_ =	sdelay $0x1  }
0xc8: {  	v56 =	vmul.f32 v54, v6;
	v13 =	vsub.f32 v55, v14;
	_ =	sdelay $0x1  }
0xc9: {  	v13 =	vmul.f32 v13, v56;
	_ =	sdelay $0x1  }
0xca: {  	v13 =	vadd.f32 v13, v53;
	_ =	sdelay $0x1  }
0xcb: {  	(erf) = vrcp.f32 v13;
	_ =	sdelay $0x1  }
0xcc: {  	v6 =	vmul.f32 v6, v6  }
0xcd: {  	v12 =	vmul.f32 v54, v54  }
0xce: {  	v57 =	vmul.f32 v56, v14;
	v8 =	vmul.f32 v8, v6;
	_ =	sdelay $0x1  }
0xcf: {  	v12 =	vmul.f32 v10, v12;
	v8 =	vadd.f32 v8, v57;
	_ =	sdelay $0x1  }
0xd0: {  	v58 =	vmul.f32 v53, v53;
	v8 =	vadd.f32 v8, v12  }
0xd1: {  	v6 =	vmul.f32 v6, v53;
	v10 =	vmul.f32 v10, v56;
	v59 =	vpop (erf)  }
0xd2: {  	v8 =	vmul.f32 v8, v58;
	v60 =	vmul.f32 v59, v59  }
0xd3: {  	v6 =	vadd.f32 v10, v6  }
0xd4: {  	v8 =	vmul.f32 v60, v8  }
0xd5: {  	v61 =	vand.u32 $0x7FFFFFFF, v5;
	v6 =	vmul.f32 v6, v9  }
0xd6: {  	vm14 =	vlt.f32 v61, $3.000000000e+00;
	v8 =	vand.u32 $0x7FFFFFFF, v8  }
0xd7: {  	v6 =	vmul.f32 v59, v6;
	v8 =	vnsel vm14, $0x3F800000, v8  }
0xd8: {  	v62 =	vand.u32 $0x7FFFFF, v8  }
0xd9: {  	v6 =	vadd.f32 v6, v7;
	v7 =	vor.u32 $0x3F800000, v62  }
0xda: {  	v9 =	vmul.f32 $5.000000000e-01, v7  }
0xdb: {  	v5 =	vsel vm14, v6, v5;
	vm15 =	vgt.f32 v7, $1.414213540e+00  }
0xdc: {  	s19 =	sadd.s32 s7, s19;
	[tilespmem:$0x1880] =	vst v5;
	v5 =	vsel vm15, v9, v7  }
0xdd: {  	[hbm4b:s19+s2] =	stream.linear.scatter [tilespmem:s15], [sflag:$0x1], $0x10, $0x38;
	v6 =	vadd.f32 $1.000000000e+00, v5;
	[tilespmem:$0x1980] =	vst v63  }
0xde: {  	_ =	swait.ge [sflag:s11], $0x10  }
0xdf: {  	(erf) = vrcp.f32 v6;
	_ =	sdelay $0x7  }
0xe0: {  	v5 =	vadd.f32 $-1.000000000e+00, v5  }
0xe1: {  	v6 =	vpop (erf)  }
0xe2: {  	v5 =	vmul.f32 v6, v5;
	_ =	sdelay $0x1  }
0xe3: {  	v6 =	vmul.f32 v5, v5;
	_ =	sdelay $0x1  }
0xe4: {  	v7 =	vmul.f32 v6, v0;
	_ =	sdelay $0x1  }
0xe5: {  	v7 =	vadd.f32 $1.428571490e-01, v7;
	_ =	sdelay $0x1  }
0xe6: {  	v7 =	vmul.f32 v7, v6;
	_ =	sdelay $0x1  }
0xe7: {  	v7 =	vadd.f32 $2.000000030e-01, v7;
	_ =	sdelay $0x1  }
0xe8: {  	v7 =	vmul.f32 v7, v6;
	_ =	sdelay $0x1  }
0xe9: {  	v8 =	vshrl.u32 v8, $0x17;
	v7 =	vadd.f32 $3.333333430e-01, v7  }
0xea: {  	v8 =	vadd.s32 $0xFFFFFF81, v8  }
0xeb: {  	v8 =	vcvt.s32.f32 v8;
	v6 =	vmul.f32 v7, v6  }
0xec: {  	v63 =	vsel vm15, $0x3F800000, v3;
	v5 =	vadd.f32 v5, v5  }
0xed: {  	s18 =	sadd.s32 $0x1, s18;
	v7 =	vadd.f32 v8, v63;
	v6 =	vadd.f32 $1.000000000e+00, v6  }
0xee: {  	p0 =	sne.s32 s18, $0xA0  }
.Ltmp2:
0xef: {  	v5 =	vmul.f32 v6, v5;
	v6 =	vmul.f32 $6.931471820e-01, v7;
	(pc) =	sbr.rel @p0 .LBB2_2-.Ltmp2, $4  }
0xf0: {  	_ = 	snop  }
0xf1: {  	v5 =	vadd.f32 v5, v6  }
0xf2: {  	[sflag:s11] =	ssyncset.done $0x0  }
0xf3: {  	[sflag:s11] =	ssyncadd.s32 $0xFFFFFFF0;
	v4 =	vadd.f32 v5, v4  }
0xf4: {  	s17 =	sadd.s32 $0x1, s17  }
0xf5: {  	p0 =	sne.s32 s17, s10  }
.Ltmp3:
0xf6: {  	[tilespmem:$0x1900] =	vst v4;
	(pc) =	sbr.rel @p0 .LBB2_1-.Ltmp3, $4  }
0xf7: {  	[hbm4b:s9+s2] =	stream.linear.scatter [tilespmem:s16], [sflag:$0x1], $0x80, $0x38;
	[tilespmem:$0x1980] =	vst v63  }
0xf8: {  	_ =	swait.ge [sflag:s11], $0x80  }
0xf9: {  	[sflag:s11] =	ssyncset.done $0x0  }
0xfa: {  	[sflag:s11] =	ssyncadd.s32 $0xFFFFFF80  }
0xfb: {  	_ =	sfence.sel $0x180000  }
0xfc: {  	[bflag:$0x0] =	sbarrier.arrive $0xFFFF  }
0xfd: {  	p0 =	sne.s32 s3, $0x0;
	_ =	strace $0x90000047  }
0xfe: {  	s0 =	sadd.s32 @!p0 $0x100000, s0;
	[bflag:$0x2] =	sbarrier.arrive $0xFFFF  }
0xff: {  	[sflag:s0] =	ssyncadd.tile.s32 @!p0 $0x1;
	_ =	shalt  }
.Lfunc_end2:
_tile_overlayer_lowered:
.L_overlay_start_2:
0x100: {  	(tag) =	ssettag $0x2  }
0x101: {  	s0 =	rddreg [dreg:$0x0];
	s2 =	stileid.u32  }
0x102: {  	s1 =	rddreg [dreg:$0x1];
	p0 =	sne.s32 s2, $0x0  }
0x103: {  	s3 =	rddreg [dreg:$0x2];
	[bflag:$0x3] =	sbarrier.arrive $0xFFFF;
	s2 =	simm.s32 @!p0 $0x1C01  }
0x104: {  	[timem:s3], [sflag:s2] =	dma.local @!p0 [hbm:s0], s1  }
0x105: {  	s0 =	simm.s32 @!p0 $0x1  }
0x106: {  	_ =	swait.ge @!p0 [sflag:s0], s1  }
0x107: {  	s1 =	ssub.s32 @!p0 $0x0, s1;
	[sflag:s0] =	ssyncset.done @!p0 $0x0  }
0x108: {  	[sflag:s0] =	ssyncadd.s32 @!p0 s1  }
0x109: {  	[bflag:$0x3] =	sbarrier.arrive $0xFFFF  }
0x10a: {  	_ =	shalt  }

</sc_bundles>
